<compile_context>
chip_gen: v7x
topology: tpu7x:2x2x1
jax: 0.10.2.dev20260603
libtpu: 0.0.44.dev20260713+nightly
codegen_flags: <defaults>
</compile_context>

<pallas_src>
import functools

import jax
import jax.numpy as jnp
from jax import lax
from jax.experimental import pallas as pl
from jax.experimental.pallas import tpu as pltpu
from jax.experimental.pallas import tpu_sc as plsc


def _transform_body(tbl_ref, w_ref, b_ref, out_ref):
    x = tbl_ref[...]
    y = lax.dot_general(
        x, w_ref[...], (((1,), (1,)), ((), ())),
        preferred_element_type=jnp.float32,
    )
    y = y + b_ref[...]
    out_ref[...] = y * jax.nn.sigmoid(y)


def _transform_table(emb_table, W, b):
    V, D = emb_table.shape
    return pl.pallas_call(
        _transform_body,
        out_shape=jax.ShapeDtypeStruct((V, D), jnp.float32),
    )(emb_table, W, b.reshape(1, D))


@functools.lru_cache(maxsize=None)
def _make_gather(V, D, B):
    info = plsc.get_sparse_core_info()
    NC, NS = info.num_cores, info.num_subcores
    NW = NC * NS
    b_per_w = B // NW
    CHUNK = 64
    n_chunks = b_per_w // CHUNK
    STG = -(-V // (8 * NS)) * 8

    mesh = plsc.VectorSubcoreMesh(core_axis_name="c", subcore_axis_name="s")

    @functools.partial(
        pl.kernel,
        mesh=mesh,
        out_type=jax.ShapeDtypeStruct((B, D), jnp.float32),
        scratch_types=[
            pltpu.VMEM((b_per_w,), jnp.int32),
            pltpu.VMEM((b_per_w, D), jnp.float32),
            pltpu.VMEM_SHARED((V, D), jnp.float32),
        ]
        + [pltpu.SemaphoreType.DMA] * n_chunks
        + [pltpu.SemaphoreType.DMA],
    )
    def gather(tbl_hbm, idx_hbm, out_hbm, idx_v, rows_v, tbl_sp, *sems):
        g_sems, w_sem = sems[:n_chunks], sems[n_chunks]
        sid = lax.axis_index("s")
        wid = sid * NC + lax.axis_index("c")
        base = wid * b_per_w
        pltpu.sync_copy(idx_hbm.at[pl.ds(base, b_per_w)], idx_v)
        gathers = [
            pltpu.async_copy(
                tbl_hbm.at[idx_v.at[pl.ds(0, CHUNK)]],
                rows_v.at[pl.ds(0, CHUNK)],
                g_sems[0],
            )
        ]
        r0 = lax.min(sid * STG, jnp.int32(V - STG))
        pltpu.sync_copy(tbl_hbm.at[pl.ds(r0, STG)], tbl_sp.at[pl.ds(r0, STG)])

        plsc.subcore_barrier()
        gathers += [
            pltpu.async_copy(
                tbl_sp.at[idx_v.at[pl.ds(j * CHUNK, CHUNK)]],
                rows_v.at[pl.ds(j * CHUNK, CHUNK)],
                g_sems[j],
            )
            for j in range(1, n_chunks)
        ]
        writes = []
        for j in range(n_chunks):
            gathers[j].wait()
            writes.append(
                pltpu.async_copy(
                    rows_v.at[pl.ds(j * CHUNK, CHUNK)],
                    out_hbm.at[pl.ds(base + j * CHUNK, CHUNK)],
                    w_sem,
                )
            )
        for c in writes:
            c.wait()

    return gather


def kernel(t, emb_table, W, b):
    V, D = emb_table.shape
    B = t.shape[0]
    tbl2 = _transform_table(emb_table, W, b)
    return _make_gather(V, D, B)(tbl2, t.astype(jnp.int32))

# --- scband reference (transcript-rebuilt; emitter-appended) ---
"""Pipeline reference for scband-time-embedding-10041633538895 (READ-ONLY COPY).

The authoritative reference and input builder live on the scoring server;
editing this copy changes nothing except your own understanding.
"""

import jax, jax.numpy as jnp
import numpy as np

N_STEPS = 1000
TIME_DIM = 128
BATCH = 16384

def setup_inputs(seed: int = 0) -> dict:
    key = jax.random.key(seed)
    k1, k2, k3, k4 = jax.random.split(key, 4)
    t = jax.random.randint(k1, (BATCH,), 0, N_STEPS, dtype=jnp.int64) if jax.config.jax_enable_x64 else jax.random.randint(k1, (BATCH,), 0, N_STEPS, dtype=jnp.int32)
    emb_table = jax.random.normal(k2, (N_STEPS, TIME_DIM), dtype=jnp.float32)
    # nn.Linear(time_dim, time_dim): weight [out, in], bias [out]
    bound = 1.0 / np.sqrt(TIME_DIM)
    W = jax.random.uniform(k3, (TIME_DIM, TIME_DIM), dtype=jnp.float32, minval=-bound, maxval=bound)
    b = jax.random.uniform(k4, (TIME_DIM,), dtype=jnp.float32, minval=-bound, maxval=bound)
    return {"t": t, "emb_table": emb_table, "W": W, "b": b}

def reference(t, emb_table, W, b):
    # embedding lookup (SparseCore-mappable gather)
    x = jnp.take(emb_table, t, axis=0)            # [B, time_dim]
    # Linear: x @ W^T + b
    y = jnp.dot(x, W.T) + b                        # [B, time_dim]
    # SiLU
    out = y * jax.nn.sigmoid(y)
    return out

if __name__ == "__main__":
    import jax
    _d = setup_inputs()
    print(jax.jit(kernel)(*tuple(_d.values())))

</pallas_src>

<mosaic_0001>
#map = affine_map<(d0, d1) -> (0, 0)>
#map1 = affine_map<(d0, d1) -> (0)>
module attributes {stable_mosaic.version = 14 : i64} {
  func.func @gather(%arg0: i32, %arg1: i32, %arg2: memref<1000x128xf32, #tpu.memory_space<hbm>>, %arg3: memref<16384xi32, #tpu.memory_space<hbm>>, %arg4: memref<16384x128xf32, #tpu.memory_space<hbm>>, %arg5: memref<512xi32, #tpu.memory_space<vmem>>, %arg6: memref<512x128xf32, #tpu.memory_space<vmem>>, %arg7: memref<1000x128xf32, #tpu.memory_space<vmem_shared>>, %arg8: memref<!tpu.dma_semaphore, #tpu.memory_space<semaphore_mem>>, %arg9: memref<!tpu.dma_semaphore, #tpu.memory_space<semaphore_mem>>, %arg10: memref<!tpu.dma_semaphore, #tpu.memory_space<semaphore_mem>>, %arg11: memref<!tpu.dma_semaphore, #tpu.memory_space<semaphore_mem>>, %arg12: memref<!tpu.dma_semaphore, #tpu.memory_space<semaphore_mem>>, %arg13: memref<!tpu.dma_semaphore, #tpu.memory_space<semaphore_mem>>, %arg14: memref<!tpu.dma_semaphore, #tpu.memory_space<semaphore_mem>>, %arg15: memref<!tpu.dma_semaphore, #tpu.memory_space<semaphore_mem>>, %arg16: memref<!tpu.dma_semaphore, #tpu.memory_space<semaphore_mem>>) attributes {dimension_semantics = [#tpu.dimension_semantics<core_parallel>, #tpu.dimension_semantics<subcore_parallel>], iteration_bounds = array<i64: 2, 16>, scalar_prefetch = 0 : i64, scratch_operands = 12 : i64, tpu.core_type = #tpu.core_type<sc_vector_subcore>, window_params = [{transform_indices = #map}, {transform_indices = #map1}, {transform_indices = #map}]} {
    %mul3A = arith.constant 2 : i32
    %mul3A_0 = arith.muli %arg1, %mul3A : i32
    %add3A = arith.addi %mul3A_0, %arg0 : i32
    %mul3A_1 = arith.constant 512 : i32
    %mul3A_2 = arith.muli %add3A, %mul3A_1 : i32
    "tpu.region"() ({
      %run_scoped3A = tpu.sem_alloc : memref<!tpu.dma_semaphore, #tpu.memory_space<semaphore_mem>>
      %dma_start3A_308 = tpu.memref_slice %arg3[%mul3A_2] : memref<16384xi32, #tpu.memory_space<hbm>> -> memref<512xi32, #tpu.memory_space<hbm>>
      %dma_start3A_309 = tpu.memref_slice %arg3[%mul3A_2] : memref<16384xi32, #tpu.memory_space<hbm>> -> memref<512xi32, #tpu.memory_space<hbm>>
      tpu.enqueue_dma source(%dma_start3A_309 : memref<512xi32, #tpu.memory_space<hbm>>) target(%arg5 : memref<512xi32, #tpu.memory_space<vmem>>) target_semaphore(%run_scoped3A : memref<!tpu.dma_semaphore, #tpu.memory_space<semaphore_mem>>)
      %dma_wait3A_310 = tpu.memref_slice %arg3[%mul3A_2] : memref<16384xi32, #tpu.memory_space<hbm>> -> memref<512xi32, #tpu.memory_space<hbm>>
      %dma_wait3A_311 = tpu.memref_slice %arg3[%mul3A_2] : memref<16384xi32, #tpu.memory_space<hbm>> -> memref<512xi32, #tpu.memory_space<hbm>>
      tpu.wait_dma2 semaphore(%run_scoped3A : memref<!tpu.dma_semaphore, #tpu.memory_space<semaphore_mem>>) src(%dma_wait3A_311 : memref<512xi32, #tpu.memory_space<hbm>>) dst(%arg5 : memref<512xi32, #tpu.memory_space<vmem>>)
      tpu.yield
    }) : () -> ()
    %dma_start3A = arith.constant 0 : i32
    %dma_start3A_3 = arith.constant 0 : i32
    %dma_start3A_4 = tpu.memref_slice %arg6[%dma_start3A, %dma_start3A_3] : memref<512x128xf32, #tpu.memory_space<vmem>> -> memref<64x128xf32, #tpu.memory_space<vmem>>
    %dma_start3A_5 = arith.constant 0 : i32
    %dma_start3A_6 = tpu.memref_slice %arg5[%dma_start3A_5] : memref<512xi32, #tpu.memory_space<vmem>> -> memref<64xi32, #tpu.memory_space<vmem>>
    %dma_start3A_7 = arith.constant 0 : i32
    %dma_start3A_8 = arith.constant 0 : i32
    %dma_start3A_9 = tpu.memref_slice %arg2[%dma_start3A_7, %dma_start3A_8] : memref<1000x128xf32, #tpu.memory_space<hbm>> -> memref<1000x128xf32, #tpu.memory_space<hbm>>
    tpu.enqueue_indirect_dma source(%dma_start3A_9 : memref<1000x128xf32, #tpu.memory_space<hbm>>) target(%dma_start3A_4 : memref<64x128xf32, #tpu.memory_space<vmem>>) offsets(%dma_start3A_6 : memref<64xi32, #tpu.memory_space<vmem>>) semaphore(%arg8 : memref<!tpu.dma_semaphore, #tpu.memory_space<semaphore_mem>>)
    %mul3A_10 = arith.constant 64 : i32
    %mul3A_11 = arith.muli %arg1, %mul3A_10 : i32
    %min3A = arith.constant 936 : i32
    %min3A_12 = arith.minsi %mul3A_11, %min3A : i32
    "tpu.region"() ({
      %run_scoped3A = tpu.sem_alloc : memref<!tpu.dma_semaphore, #tpu.memory_space<semaphore_mem>>
      %dma_start3A_308 = arith.constant 0 : i32
      %dma_start3A_309 = tpu.memref_slice %arg7[%min3A_12, %dma_start3A_308] : memref<1000x128xf32, #tpu.memory_space<vmem_shared>> -> memref<64x128xf32, #tpu.memory_space<vmem_shared>>
      %dma_start3A_310 = arith.constant 0 : i32
      %dma_start3A_311 = tpu.memref_slice %arg2[%min3A_12, %dma_start3A_310] : memref<1000x128xf32, #tpu.memory_space<hbm>> -> memref<64x128xf32, #tpu.memory_space<hbm>>
      tpu.enqueue_dma source(%dma_start3A_311 : memref<64x128xf32, #tpu.memory_space<hbm>>) target(%dma_start3A_309 : memref<64x128xf32, #tpu.memory_space<vmem_shared>>) target_semaphore(%run_scoped3A : memref<!tpu.dma_semaphore, #tpu.memory_space<semaphore_mem>>)
      %dma_wait3A_312 = arith.constant 0 : i32
      %dma_wait3A_313 = tpu.memref_slice %arg7[%min3A_12, %dma_wait3A_312] : memref<1000x128xf32, #tpu.memory_space<vmem_shared>> -> memref<64x128xf32, #tpu.memory_space<vmem_shared>>
      %dma_wait3A_314 = arith.constant 0 : i32
      %dma_wait3A_315 = tpu.memref_slice %arg2[%min3A_12, %dma_wait3A_314] : memref<1000x128xf32, #tpu.memory_space<hbm>> -> memref<64x128xf32, #tpu.memory_space<hbm>>
      tpu.wait_dma2 semaphore(%run_scoped3A : memref<!tpu.dma_semaphore, #tpu.memory_space<semaphore_mem>>) src(%dma_wait3A_315 : memref<64x128xf32, #tpu.memory_space<hbm>>) dst(%dma_wait3A_313 : memref<64x128xf32, #tpu.memory_space<vmem_shared>>)
      tpu.yield
    }) : () -> ()
    %barrier3A = arith.constant 0 : index
    tpu.barrier barrier_id(%barrier3A)
    %dma_start3A_13 = arith.constant 64 : i32
    %dma_start3A_14 = arith.constant 0 : i32
    %dma_start3A_15 = tpu.memref_slice %arg6[%dma_start3A_13, %dma_start3A_14] : memref<512x128xf32, #tpu.memory_space<vmem>> -> memref<64x128xf32, #tpu.memory_space<vmem>>
    %dma_start3A_16 = arith.constant 64 : i32
    %dma_start3A_17 = tpu.memref_slice %arg5[%dma_start3A_16] : memref<512xi32, #tpu.memory_space<vmem>> -> memref<64xi32, #tpu.memory_space<vmem>>
    %dma_start3A_18 = arith.constant 0 : i32
    %dma_start3A_19 = arith.constant 0 : i32
    %dma_start3A_20 = tpu.memref_slice %arg7[%dma_start3A_18, %dma_start3A_19] : memref<1000x128xf32, #tpu.memory_space<vmem_shared>> -> memref<1000x128xf32, #tpu.memory_space<vmem_shared>>
    tpu.enqueue_indirect_dma source(%dma_start3A_20 : memref<1000x128xf32, #tpu.memory_space<vmem_shared>>) target(%dma_start3A_15 : memref<64x128xf32, #tpu.memory_space<vmem>>) offsets(%dma_start3A_17 : memref<64xi32, #tpu.memory_space<vmem>>) semaphore(%arg9 : memref<!tpu.dma_semaphore, #tpu.memory_space<semaphore_mem>>)
    %dma_start3A_21 = arith.constant 128 : i32
    %dma_start3A_22 = arith.constant 0 : i32
    %dma_start3A_23 = tpu.memref_slice %arg6[%dma_start3A_21, %dma_start3A_22] : memref<512x128xf32, #tpu.memory_space<vmem>> -> memref<64x128xf32, #tpu.memory_space<vmem>>
    %dma_start3A_24 = arith.constant 128 : i32
    %dma_start3A_25 = tpu.memref_slice %arg5[%dma_start3A_24] : memref<512xi32, #tpu.memory_space<vmem>> -> memref<64xi32, #tpu.memory_space<vmem>>
    %dma_start3A_26 = arith.constant 0 : i32
    %dma_start3A_27 = arith.constant 0 : i32
    %dma_start3A_28 = tpu.memref_slice %arg7[%dma_start3A_26, %dma_start3A_27] : memref<1000x128xf32, #tpu.memory_space<vmem_shared>> -> memref<1000x128xf32, #tpu.memory_space<vmem_shared>>
    tpu.enqueue_indirect_dma source(%dma_start3A_28 : memref<1000x128xf32, #tpu.memory_space<vmem_shared>>) target(%dma_start3A_23 : memref<64x128xf32, #tpu.memory_space<vmem>>) offsets(%dma_start3A_25 : memref<64xi32, #tpu.memory_space<vmem>>) semaphore(%arg10 : memref<!tpu.dma_semaphore, #tpu.memory_space<semaphore_mem>>)
    %dma_start3A_29 = arith.constant 192 : i32
    %dma_start3A_30 = arith.constant 0 : i32
    %dma_start3A_31 = tpu.memref_slice %arg6[%dma_start3A_29, %dma_start3A_30] : memref<512x128xf32, #tpu.memory_space<vmem>> -> memref<64x128xf32, #tpu.memory_space<vmem>>
    %dma_start3A_32 = arith.constant 192 : i32
    %dma_start3A_33 = tpu.memref_slice %arg5[%dma_start3A_32] : memref<512xi32, #tpu.memory_space<vmem>> -> memref<64xi32, #tpu.memory_space<vmem>>
    %dma_start3A_34 = arith.constant 0 : i32
    %dma_start3A_35 = arith.constant 0 : i32
    %dma_start3A_36 = tpu.memref_slice %arg7[%dma_start3A_34, %dma_start3A_35] : memref<1000x128xf32, #tpu.memory_space<vmem_shared>> -> memref<1000x128xf32, #tpu.memory_space<vmem_shared>>
    tpu.enqueue_indirect_dma source(%dma_start3A_36 : memref<1000x128xf32, #tpu.memory_space<vmem_shared>>) target(%dma_start3A_31 : memref<64x128xf32, #tpu.memory_space<vmem>>) offsets(%dma_start3A_33 : memref<64xi32, #tpu.memory_space<vmem>>) semaphore(%arg11 : memref<!tpu.dma_semaphore, #tpu.memory_space<semaphore_mem>>)
    %dma_start3A_37 = arith.constant 256 : i32
    %dma_start3A_38 = arith.constant 0 : i32
    %dma_start3A_39 = tpu.memref_slice %arg6[%dma_start3A_37, %dma_start3A_38] : memref<512x128xf32, #tpu.memory_space<vmem>> -> memref<64x128xf32, #tpu.memory_space<vmem>>
    %dma_start3A_40 = arith.constant 256 : i32
    %dma_start3A_41 = tpu.memref_slice %arg5[%dma_start3A_40] : memref<512xi32, #tpu.memory_space<vmem>> -> memref<64xi32, #tpu.memory_space<vmem>>
    %dma_start3A_42 = arith.constant 0 : i32
    %dma_start3A_43 = arith.constant 0 : i32
    %dma_start3A_44 = tpu.memref_slice %arg7[%dma_start3A_42, %dma_start3A_43] : memref<1000x128xf32, #tpu.memory_space<vmem_shared>> -> memref<1000x128xf32, #tpu.memory_space<vmem_shared>>
    tpu.enqueue_indirect_dma source(%dma_start3A_44 : memref<1000x128xf32, #tpu.memory_space<vmem_shared>>) target(%dma_start3A_39 : memref<64x128xf32, #tpu.memory_space<vmem>>) offsets(%dma_start3A_41 : memref<64xi32, #tpu.memory_space<vmem>>) semaphore(%arg12 : memref<!tpu.dma_semaphore, #tpu.memory_space<semaphore_mem>>)
    %dma_start3A_45 = arith.constant 320 : i32
    %dma_start3A_46 = arith.constant 0 : i32
    %dma_start3A_47 = tpu.memref_slice %arg6[%dma_start3A_45, %dma_start3A_46] : memref<512x128xf32, #tpu.memory_space<vmem>> -> memref<64x128xf32, #tpu.memory_space<vmem>>
    %dma_start3A_48 = arith.constant 320 : i32
    %dma_start3A_49 = tpu.memref_slice %arg5[%dma_start3A_48] : memref<512xi32, #tpu.memory_space<vmem>> -> memref<64xi32, #tpu.memory_space<vmem>>
    %dma_start3A_50 = arith.constant 0 : i32
    %dma_start3A_51 = arith.constant 0 : i32
    %dma_start3A_52 = tpu.memref_slice %arg7[%dma_start3A_50, %dma_start3A_51] : memref<1000x128xf32, #tpu.memory_space<vmem_shared>> -> memref<1000x128xf32, #tpu.memory_space<vmem_shared>>
    tpu.enqueue_indirect_dma source(%dma_start3A_52 : memref<1000x128xf32, #tpu.memory_space<vmem_shared>>) target(%dma_start3A_47 : memref<64x128xf32, #tpu.memory_space<vmem>>) offsets(%dma_start3A_49 : memref<64xi32, #tpu.memory_space<vmem>>) semaphore(%arg13 : memref<!tpu.dma_semaphore, #tpu.memory_space<semaphore_mem>>)
    %dma_start3A_53 = arith.constant 384 : i32
    %dma_start3A_54 = arith.constant 0 : i32
    %dma_start3A_55 = tpu.memref_slice %arg6[%dma_start3A_53, %dma_start3A_54] : memref<512x128xf32, #tpu.memory_space<vmem>> -> memref<64x128xf32, #tpu.memory_space<vmem>>
    %dma_start3A_56 = arith.constant 384 : i32
    %dma_start3A_57 = tpu.memref_slice %arg5[%dma_start3A_56] : memref<512xi32, #tpu.memory_space<vmem>> -> memref<64xi32, #tpu.memory_space<vmem>>
    %dma_start3A_58 = arith.constant 0 : i32
    %dma_start3A_59 = arith.constant 0 : i32
    %dma_start3A_60 = tpu.memref_slice %arg7[%dma_start3A_58, %dma_start3A_59] : memref<1000x128xf32, #tpu.memory_space<vmem_shared>> -> memref<1000x128xf32, #tpu.memory_space<vmem_shared>>
    tpu.enqueue_indirect_dma source(%dma_start3A_60 : memref<1000x128xf32, #tpu.memory_space<vmem_shared>>) target(%dma_start3A_55 : memref<64x128xf32, #tpu.memory_space<vmem>>) offsets(%dma_start3A_57 : memref<64xi32, #tpu.memory_space<vmem>>) semaphore(%arg14 : memref<!tpu.dma_semaphore, #tpu.memory_space<semaphore_mem>>)
    %dma_start3A_61 = arith.constant 448 : i32
    %dma_start3A_62 = arith.constant 0 : i32
    %dma_start3A_63 = tpu.memref_slice %arg6[%dma_start3A_61, %dma_start3A_62] : memref<512x128xf32, #tpu.memory_space<vmem>> -> memref<64x128xf32, #tpu.memory_space<vmem>>
    %dma_start3A_64 = arith.constant 448 : i32
    %dma_start3A_65 = tpu.memref_slice %arg5[%dma_start3A_64] : memref<512xi32, #tpu.memory_space<vmem>> -> memref<64xi32, #tpu.memory_space<vmem>>
    %dma_start3A_66 = arith.constant 0 : i32
    %dma_start3A_67 = arith.constant 0 : i32
    %dma_start3A_68 = tpu.memref_slice %arg7[%dma_start3A_66, %dma_start3A_67] : memref<1000x128xf32, #tpu.memory_space<vmem_shared>> -> memref<1000x128xf32, #tpu.memory_space<vmem_shared>>
    tpu.enqueue_indirect_dma source(%dma_start3A_68 : memref<1000x128xf32, #tpu.memory_space<vmem_shared>>) target(%dma_start3A_63 : memref<64x128xf32, #tpu.memory_space<vmem>>) offsets(%dma_start3A_65 : memref<64xi32, #tpu.memory_space<vmem>>) semaphore(%arg15 : memref<!tpu.dma_semaphore, #tpu.memory_space<semaphore_mem>>)
    %dma_wait3A = arith.constant 0 : i32
    %dma_wait3A_69 = arith.constant 0 : i32
    %dma_wait3A_70 = tpu.memref_slice %arg6[%dma_wait3A, %dma_wait3A_69] : memref<512x128xf32, #tpu.memory_space<vmem>> -> memref<64x128xf32, #tpu.memory_space<vmem>>
    %dma_wait3A_71 = arith.constant 0 : i32
    %dma_wait3A_72 = tpu.memref_slice %arg5[%dma_wait3A_71] : memref<512xi32, #tpu.memory_space<vmem>> -> memref<64xi32, #tpu.memory_space<vmem>>
    %dma_wait3A_73 = arith.constant 0 : i32
    %dma_wait3A_74 = arith.constant 0 : i32
    %dma_wait3A_75 = tpu.memref_slice %arg2[%dma_wait3A_73, %dma_wait3A_74] : memref<1000x128xf32, #tpu.memory_space<hbm>> -> memref<1000x128xf32, #tpu.memory_space<hbm>>
    tpu.wait_indirect_dma semaphore(%arg8 : memref<!tpu.dma_semaphore, #tpu.memory_space<semaphore_mem>>) src(%dma_wait3A_75 : memref<1000x128xf32, #tpu.memory_space<hbm>>) dst(%dma_wait3A_70 : memref<64x128xf32, #tpu.memory_space<vmem>>)
    %add3A_76 = arith.constant 0 : i32
    %add3A_77 = arith.addi %mul3A_2, %add3A_76 : i32
    %dma_start3A_78 = arith.constant 0 : i32
    %dma_start3A_79 = arith.constant 0 : i32
    %dma_start3A_80 = tpu.memref_slice %arg6[%dma_start3A_78, %dma_start3A_79] : memref<512x128xf32, #tpu.memory_space<vmem>> -> memref<64x128xf32, #tpu.memory_space<vmem>>
    %dma_start3A_81 = arith.constant 0 : i32
    %dma_start3A_82 = tpu.memref_slice %arg4[%add3A_77, %dma_start3A_81] : memref<16384x128xf32, #tpu.memory_space<hbm>> -> memref<64x128xf32, #tpu.memory_space<hbm>>
    %dma_start3A_83 = arith.constant 0 : i32
    %dma_start3A_84 = tpu.memref_slice %arg4[%add3A_77, %dma_start3A_83] : memref<16384x128xf32, #tpu.memory_space<hbm>> -> memref<64x128xf32, #tpu.memory_space<hbm>>
    %dma_start3A_85 = arith.constant 0 : i32
    %dma_start3A_86 = arith.constant 0 : i32
    %dma_start3A_87 = tpu.memref_slice %arg6[%dma_start3A_85, %dma_start3A_86] : memref<512x128xf32, #tpu.memory_space<vmem>> -> memref<64x128xf32, #tpu.memory_space<vmem>>
    tpu.enqueue_dma source(%dma_start3A_87 : memref<64x128xf32, #tpu.memory_space<vmem>>) target(%dma_start3A_84 : memref<64x128xf32, #tpu.memory_space<hbm>>) target_semaphore(%arg16 : memref<!tpu.dma_semaphore, #tpu.memory_space<semaphore_mem>>)
    %dma_wait3A_88 = arith.constant 64 : i32
    %dma_wait3A_89 = arith.constant 0 : i32
    %dma_wait3A_90 = tpu.memref_slice %arg6[%dma_wait3A_88, %dma_wait3A_89] : memref<512x128xf32, #tpu.memory_space<vmem>> -> memref<64x128xf32, #tpu.memory_space<vmem>>
    %dma_wait3A_91 = arith.constant 64 : i32
    %dma_wait3A_92 = tpu.memref_slice %arg5[%dma_wait3A_91] : memref<512xi32, #tpu.memory_space<vmem>> -> memref<64xi32, #tpu.memory_space<vmem>>
    %dma_wait3A_93 = arith.constant 0 : i32
    %dma_wait3A_94 = arith.constant 0 : i32
    %dma_wait3A_95 = tpu.memref_slice %arg7[%dma_wait3A_93, %dma_wait3A_94] : memref<1000x128xf32, #tpu.memory_space<vmem_shared>> -> memref<1000x128xf32, #tpu.memory_space<vmem_shared>>
    tpu.wait_indirect_dma semaphore(%arg9 : memref<!tpu.dma_semaphore, #tpu.memory_space<semaphore_mem>>) src(%dma_wait3A_95 : memref<1000x128xf32, #tpu.memory_space<vmem_shared>>) dst(%dma_wait3A_90 : memref<64x128xf32, #tpu.memory_space<vmem>>)
    %add3A_96 = arith.constant 64 : i32
    %add3A_97 = arith.addi %mul3A_2, %add3A_96 : i32
    %dma_start3A_98 = arith.constant 64 : i32
    %dma_start3A_99 = arith.constant 0 : i32
    %dma_start3A_100 = tpu.memref_slice %arg6[%dma_start3A_98, %dma_start3A_99] : memref<512x128xf32, #tpu.memory_space<vmem>> -> memref<64x128xf32, #tpu.memory_space<vmem>>
    %dma_start3A_101 = arith.constant 0 : i32
    %dma_start3A_102 = tpu.memref_slice %arg4[%add3A_97, %dma_start3A_101] : memref<16384x128xf32, #tpu.memory_space<hbm>> -> memref<64x128xf32, #tpu.memory_space<hbm>>
    %dma_start3A_103 = arith.constant 0 : i32
    %dma_start3A_104 = tpu.memref_slice %arg4[%add3A_97, %dma_start3A_103] : memref<16384x128xf32, #tpu.memory_space<hbm>> -> memref<64x128xf32, #tpu.memory_space<hbm>>
    %dma_start3A_105 = arith.constant 64 : i32
    %dma_start3A_106 = arith.constant 0 : i32
    %dma_start3A_107 = tpu.memref_slice %arg6[%dma_start3A_105, %dma_start3A_106] : memref<512x128xf32, #tpu.memory_space<vmem>> -> memref<64x128xf32, #tpu.memory_space<vmem>>
    tpu.enqueue_dma source(%dma_start3A_107 : memref<64x128xf32, #tpu.memory_space<vmem>>) target(%dma_start3A_104 : memref<64x128xf32, #tpu.memory_space<hbm>>) target_semaphore(%arg16 : memref<!tpu.dma_semaphore, #tpu.memory_space<semaphore_mem>>)
    %dma_wait3A_108 = arith.constant 128 : i32
    %dma_wait3A_109 = arith.constant 0 : i32
    %dma_wait3A_110 = tpu.memref_slice %arg6[%dma_wait3A_108, %dma_wait3A_109] : memref<512x128xf32, #tpu.memory_space<vmem>> -> memref<64x128xf32, #tpu.memory_space<vmem>>
    %dma_wait3A_111 = arith.constant 128 : i32
    %dma_wait3A_112 = tpu.memref_slice %arg5[%dma_wait3A_111] : memref<512xi32, #tpu.memory_space<vmem>> -> memref<64xi32, #tpu.memory_space<vmem>>
    %dma_wait3A_113 = arith.constant 0 : i32
    %dma_wait3A_114 = arith.constant 0 : i32
    %dma_wait3A_115 = tpu.memref_slice %arg7[%dma_wait3A_113, %dma_wait3A_114] : memref<1000x128xf32, #tpu.memory_space<vmem_shared>> -> memref<1000x128xf32, #tpu.memory_space<vmem_shared>>
    tpu.wait_indirect_dma semaphore(%arg10 : memref<!tpu.dma_semaphore, #tpu.memory_space<semaphore_mem>>) src(%dma_wait3A_115 : memref<1000x128xf32, #tpu.memory_space<vmem_shared>>) dst(%dma_wait3A_110 : memref<64x128xf32, #tpu.memory_space<vmem>>)
    %add3A_116 = arith.constant 128 : i32
    %add3A_117 = arith.addi %mul3A_2, %add3A_116 : i32
    %dma_start3A_118 = arith.constant 128 : i32
    %dma_start3A_119 = arith.constant 0 : i32
    %dma_start3A_120 = tpu.memref_slice %arg6[%dma_start3A_118, %dma_start3A_119] : memref<512x128xf32, #tpu.memory_space<vmem>> -> memref<64x128xf32, #tpu.memory_space<vmem>>
    %dma_start3A_121 = arith.constant 0 : i32
    %dma_start3A_122 = tpu.memref_slice %arg4[%add3A_117, %dma_start3A_121] : memref<16384x128xf32, #tpu.memory_space<hbm>> -> memref<64x128xf32, #tpu.memory_space<hbm>>
    %dma_start3A_123 = arith.constant 0 : i32
    %dma_start3A_124 = tpu.memref_slice %arg4[%add3A_117, %dma_start3A_123] : memref<16384x128xf32, #tpu.memory_space<hbm>> -> memref<64x128xf32, #tpu.memory_space<hbm>>
    %dma_start3A_125 = arith.constant 128 : i32
    %dma_start3A_126 = arith.constant 0 : i32
    %dma_start3A_127 = tpu.memref_slice %arg6[%dma_start3A_125, %dma_start3A_126] : memref<512x128xf32, #tpu.memory_space<vmem>> -> memref<64x128xf32, #tpu.memory_space<vmem>>
    tpu.enqueue_dma source(%dma_start3A_127 : memref<64x128xf32, #tpu.memory_space<vmem>>) target(%dma_start3A_124 : memref<64x128xf32, #tpu.memory_space<hbm>>) target_semaphore(%arg16 : memref<!tpu.dma_semaphore, #tpu.memory_space<semaphore_mem>>)
    %dma_wait3A_128 = arith.constant 192 : i32
    %dma_wait3A_129 = arith.constant 0 : i32
    %dma_wait3A_130 = tpu.memref_slice %arg6[%dma_wait3A_128, %dma_wait3A_129] : memref<512x128xf32, #tpu.memory_space<vmem>> -> memref<64x128xf32, #tpu.memory_space<vmem>>
    %dma_wait3A_131 = arith.constant 192 : i32
    %dma_wait3A_132 = tpu.memref_slice %arg5[%dma_wait3A_131] : memref<512xi32, #tpu.memory_space<vmem>> -> memref<64xi32, #tpu.memory_space<vmem>>
    %dma_wait3A_133 = arith.constant 0 : i32
    %dma_wait3A_134 = arith.constant 0 : i32
    %dma_wait3A_135 = tpu.memref_slice %arg7[%dma_wait3A_133, %dma_wait3A_134] : memref<1000x128xf32, #tpu.memory_space<vmem_shared>> -> memref<1000x128xf32, #tpu.memory_space<vmem_shared>>
    tpu.wait_indirect_dma semaphore(%arg11 : memref<!tpu.dma_semaphore, #tpu.memory_space<semaphore_mem>>) src(%dma_wait3A_135 : memref<1000x128xf32, #tpu.memory_space<vmem_shared>>) dst(%dma_wait3A_130 : memref<64x128xf32, #tpu.memory_space<vmem>>)
    %add3A_136 = arith.constant 192 : i32
    %add3A_137 = arith.addi %mul3A_2, %add3A_136 : i32
    %dma_start3A_138 = arith.constant 192 : i32
    %dma_start3A_139 = arith.constant 0 : i32
    %dma_start3A_140 = tpu.memref_slice %arg6[%dma_start3A_138, %dma_start3A_139] : memref<512x128xf32, #tpu.memory_space<vmem>> -> memref<64x128xf32, #tpu.memory_space<vmem>>
    %dma_start3A_141 = arith.constant 0 : i32
    %dma_start3A_142 = tpu.memref_slice %arg4[%add3A_137, %dma_start3A_141] : memref<16384x128xf32, #tpu.memory_space<hbm>> -> memref<64x128xf32, #tpu.memory_space<hbm>>
    %dma_start3A_143 = arith.constant 0 : i32
    %dma_start3A_144 = tpu.memref_slice %arg4[%add3A_137, %dma_start3A_143] : memref<16384x128xf32, #tpu.memory_space<hbm>> -> memref<64x128xf32, #tpu.memory_space<hbm>>
    %dma_start3A_145 = arith.constant 192 : i32
    %dma_start3A_146 = arith.constant 0 : i32
    %dma_start3A_147 = tpu.memref_slice %arg6[%dma_start3A_145, %dma_start3A_146] : memref<512x128xf32, #tpu.memory_space<vmem>> -> memref<64x128xf32, #tpu.memory_space<vmem>>
    tpu.enqueue_dma source(%dma_start3A_147 : memref<64x128xf32, #tpu.memory_space<vmem>>) target(%dma_start3A_144 : memref<64x128xf32, #tpu.memory_space<hbm>>) target_semaphore(%arg16 : memref<!tpu.dma_semaphore, #tpu.memory_space<semaphore_mem>>)
    %dma_wait3A_148 = arith.constant 256 : i32
    %dma_wait3A_149 = arith.constant 0 : i32
    %dma_wait3A_150 = tpu.memref_slice %arg6[%dma_wait3A_148, %dma_wait3A_149] : memref<512x128xf32, #tpu.memory_space<vmem>> -> memref<64x128xf32, #tpu.memory_space<vmem>>
    %dma_wait3A_151 = arith.constant 256 : i32
    %dma_wait3A_152 = tpu.memref_slice %arg5[%dma_wait3A_151] : memref<512xi32, #tpu.memory_space<vmem>> -> memref<64xi32, #tpu.memory_space<vmem>>
    %dma_wait3A_153 = arith.constant 0 : i32
    %dma_wait3A_154 = arith.constant 0 : i32
    %dma_wait3A_155 = tpu.memref_slice %arg7[%dma_wait3A_153, %dma_wait3A_154] : memref<1000x128xf32, #tpu.memory_space<vmem_shared>> -> memref<1000x128xf32, #tpu.memory_space<vmem_shared>>
    tpu.wait_indirect_dma semaphore(%arg12 : memref<!tpu.dma_semaphore, #tpu.memory_space<semaphore_mem>>) src(%dma_wait3A_155 : memref<1000x128xf32, #tpu.memory_space<vmem_shared>>) dst(%dma_wait3A_150 : memref<64x128xf32, #tpu.memory_space<vmem>>)
    %add3A_156 = arith.constant 256 : i32
    %add3A_157 = arith.addi %mul3A_2, %add3A_156 : i32
    %dma_start3A_158 = arith.constant 256 : i32
    %dma_start3A_159 = arith.constant 0 : i32
    %dma_start3A_160 = tpu.memref_slice %arg6[%dma_start3A_158, %dma_start3A_159] : memref<512x128xf32, #tpu.memory_space<vmem>> -> memref<64x128xf32, #tpu.memory_space<vmem>>
    %dma_start3A_161 = arith.constant 0 : i32
    %dma_start3A_162 = tpu.memref_slice %arg4[%add3A_157, %dma_start3A_161] : memref<16384x128xf32, #tpu.memory_space<hbm>> -> memref<64x128xf32, #tpu.memory_space<hbm>>
    %dma_start3A_163 = arith.constant 0 : i32
    %dma_start3A_164 = tpu.memref_slice %arg4[%add3A_157, %dma_start3A_163] : memref<16384x128xf32, #tpu.memory_space<hbm>> -> memref<64x128xf32, #tpu.memory_space<hbm>>
    %dma_start3A_165 = arith.constant 256 : i32
    %dma_start3A_166 = arith.constant 0 : i32
    %dma_start3A_167 = tpu.memref_slice %arg6[%dma_start3A_165, %dma_start3A_166] : memref<512x128xf32, #tpu.memory_space<vmem>> -> memref<64x128xf32, #tpu.memory_space<vmem>>
    tpu.enqueue_dma source(%dma_start3A_167 : memref<64x128xf32, #tpu.memory_space<vmem>>) target(%dma_start3A_164 : memref<64x128xf32, #tpu.memory_space<hbm>>) target_semaphore(%arg16 : memref<!tpu.dma_semaphore, #tpu.memory_space<semaphore_mem>>)
    %dma_wait3A_168 = arith.constant 320 : i32
    %dma_wait3A_169 = arith.constant 0 : i32
    %dma_wait3A_170 = tpu.memref_slice %arg6[%dma_wait3A_168, %dma_wait3A_169] : memref<512x128xf32, #tpu.memory_space<vmem>> -> memref<64x128xf32, #tpu.memory_space<vmem>>
    %dma_wait3A_171 = arith.constant 320 : i32
    %dma_wait3A_172 = tpu.memref_slice %arg5[%dma_wait3A_171] : memref<512xi32, #tpu.memory_space<vmem>> -> memref<64xi32, #tpu.memory_space<vmem>>
    %dma_wait3A_173 = arith.constant 0 : i32
    %dma_wait3A_174 = arith.constant 0 : i32
    %dma_wait3A_175 = tpu.memref_slice %arg7[%dma_wait3A_173, %dma_wait3A_174] : memref<1000x128xf32, #tpu.memory_space<vmem_shared>> -> memref<1000x128xf32, #tpu.memory_space<vmem_shared>>
    tpu.wait_indirect_dma semaphore(%arg13 : memref<!tpu.dma_semaphore, #tpu.memory_space<semaphore_mem>>) src(%dma_wait3A_175 : memref<1000x128xf32, #tpu.memory_space<vmem_shared>>) dst(%dma_wait3A_170 : memref<64x128xf32, #tpu.memory_space<vmem>>)
    %add3A_176 = arith.constant 320 : i32
    %add3A_177 = arith.addi %mul3A_2, %add3A_176 : i32
    %dma_start3A_178 = arith.constant 320 : i32
    %dma_start3A_179 = arith.constant 0 : i32
    %dma_start3A_180 = tpu.memref_slice %arg6[%dma_start3A_178, %dma_start3A_179] : memref<512x128xf32, #tpu.memory_space<vmem>> -> memref<64x128xf32, #tpu.memory_space<vmem>>
    %dma_start3A_181 = arith.constant 0 : i32
    %dma_start3A_182 = tpu.memref_slice %arg4[%add3A_177, %dma_start3A_181] : memref<16384x128xf32, #tpu.memory_space<hbm>> -> memref<64x128xf32, #tpu.memory_space<hbm>>
    %dma_start3A_183 = arith.constant 0 : i32
    %dma_start3A_184 = tpu.memref_slice %arg4[%add3A_177, %dma_start3A_183] : memref<16384x128xf32, #tpu.memory_space<hbm>> -> memref<64x128xf32, #tpu.memory_space<hbm>>
    %dma_start3A_185 = arith.constant 320 : i32
    %dma_start3A_186 = arith.constant 0 : i32
    %dma_start3A_187 = tpu.memref_slice %arg6[%dma_start3A_185, %dma_start3A_186] : memref<512x128xf32, #tpu.memory_space<vmem>> -> memref<64x128xf32, #tpu.memory_space<vmem>>
    tpu.enqueue_dma source(%dma_start3A_187 : memref<64x128xf32, #tpu.memory_space<vmem>>) target(%dma_start3A_184 : memref<64x128xf32, #tpu.memory_space<hbm>>) target_semaphore(%arg16 : memref<!tpu.dma_semaphore, #tpu.memory_space<semaphore_mem>>)
    %dma_wait3A_188 = arith.constant 384 : i32
    %dma_wait3A_189 = arith.constant 0 : i32
    %dma_wait3A_190 = tpu.memref_slice %arg6[%dma_wait3A_188, %dma_wait3A_189] : memref<512x128xf32, #tpu.memory_space<vmem>> -> memref<64x128xf32, #tpu.memory_space<vmem>>
    %dma_wait3A_191 = arith.constant 384 : i32
    %dma_wait3A_192 = tpu.memref_slice %arg5[%dma_wait3A_191] : memref<512xi32, #tpu.memory_space<vmem>> -> memref<64xi32, #tpu.memory_space<vmem>>
    %dma_wait3A_193 = arith.constant 0 : i32
    %dma_wait3A_194 = arith.constant 0 : i32
    %dma_wait3A_195 = tpu.memref_slice %arg7[%dma_wait3A_193, %dma_wait3A_194] : memref<1000x128xf32, #tpu.memory_space<vmem_shared>> -> memref<1000x128xf32, #tpu.memory_space<vmem_shared>>
    tpu.wait_indirect_dma semaphore(%arg14 : memref<!tpu.dma_semaphore, #tpu.memory_space<semaphore_mem>>) src(%dma_wait3A_195 : memref<1000x128xf32, #tpu.memory_space<vmem_shared>>) dst(%dma_wait3A_190 : memref<64x128xf32, #tpu.memory_space<vmem>>)
    %add3A_196 = arith.constant 384 : i32
    %add3A_197 = arith.addi %mul3A_2, %add3A_196 : i32
    %dma_start3A_198 = arith.constant 384 : i32
    %dma_start3A_199 = arith.constant 0 : i32
    %dma_start3A_200 = tpu.memref_slice %arg6[%dma_start3A_198, %dma_start3A_199] : memref<512x128xf32, #tpu.memory_space<vmem>> -> memref<64x128xf32, #tpu.memory_space<vmem>>
    %dma_start3A_201 = arith.constant 0 : i32
    %dma_start3A_202 = tpu.memref_slice %arg4[%add3A_197, %dma_start3A_201] : memref<16384x128xf32, #tpu.memory_space<hbm>> -> memref<64x128xf32, #tpu.memory_space<hbm>>
    %dma_start3A_203 = arith.constant 0 : i32
    %dma_start3A_204 = tpu.memref_slice %arg4[%add3A_197, %dma_start3A_203] : memref<16384x128xf32, #tpu.memory_space<hbm>> -> memref<64x128xf32, #tpu.memory_space<hbm>>
    %dma_start3A_205 = arith.constant 384 : i32
    %dma_start3A_206 = arith.constant 0 : i32
    %dma_start3A_207 = tpu.memref_slice %arg6[%dma_start3A_205, %dma_start3A_206] : memref<512x128xf32, #tpu.memory_space<vmem>> -> memref<64x128xf32, #tpu.memory_space<vmem>>
    tpu.enqueue_dma source(%dma_start3A_207 : memref<64x128xf32, #tpu.memory_space<vmem>>) target(%dma_start3A_204 : memref<64x128xf32, #tpu.memory_space<hbm>>) target_semaphore(%arg16 : memref<!tpu.dma_semaphore, #tpu.memory_space<semaphore_mem>>)
    %dma_wait3A_208 = arith.constant 448 : i32
    %dma_wait3A_209 = arith.constant 0 : i32
    %dma_wait3A_210 = tpu.memref_slice %arg6[%dma_wait3A_208, %dma_wait3A_209] : memref<512x128xf32, #tpu.memory_space<vmem>> -> memref<64x128xf32, #tpu.memory_space<vmem>>
    %dma_wait3A_211 = arith.constant 448 : i32
    %dma_wait3A_212 = tpu.memref_slice %arg5[%dma_wait3A_211] : memref<512xi32, #tpu.memory_space<vmem>> -> memref<64xi32, #tpu.memory_space<vmem>>
    %dma_wait3A_213 = arith.constant 0 : i32
    %dma_wait3A_214 = arith.constant 0 : i32
    %dma_wait3A_215 = tpu.memref_slice %arg7[%dma_wait3A_213, %dma_wait3A_214] : memref<1000x128xf32, #tpu.memory_space<vmem_shared>> -> memref<1000x128xf32, #tpu.memory_space<vmem_shared>>
    tpu.wait_indirect_dma semaphore(%arg15 : memref<!tpu.dma_semaphore, #tpu.memory_space<semaphore_mem>>) src(%dma_wait3A_215 : memref<1000x128xf32, #tpu.memory_space<vmem_shared>>) dst(%dma_wait3A_210 : memref<64x128xf32, #tpu.memory_space<vmem>>)
    %add3A_216 = arith.constant 448 : i32
    %add3A_217 = arith.addi %mul3A_2, %add3A_216 : i32
    %dma_start3A_218 = arith.constant 448 : i32
    %dma_start3A_219 = arith.constant 0 : i32
    %dma_start3A_220 = tpu.memref_slice %arg6[%dma_start3A_218, %dma_start3A_219] : memref<512x128xf32, #tpu.memory_space<vmem>> -> memref<64x128xf32, #tpu.memory_space<vmem>>
    %dma_start3A_221 = arith.constant 0 : i32
    %dma_start3A_222 = tpu.memref_slice %arg4[%add3A_217, %dma_start3A_221] : memref<16384x128xf32, #tpu.memory_space<hbm>> -> memref<64x128xf32, #tpu.memory_space<hbm>>
    %dma_start3A_223 = arith.constant 0 : i32
    %dma_start3A_224 = tpu.memref_slice %arg4[%add3A_217, %dma_start3A_223] : memref<16384x128xf32, #tpu.memory_space<hbm>> -> memref<64x128xf32, #tpu.memory_space<hbm>>
    %dma_start3A_225 = arith.constant 448 : i32
    %dma_start3A_226 = arith.constant 0 : i32
    %dma_start3A_227 = tpu.memref_slice %arg6[%dma_start3A_225, %dma_start3A_226] : memref<512x128xf32, #tpu.memory_space<vmem>> -> memref<64x128xf32, #tpu.memory_space<vmem>>
    tpu.enqueue_dma source(%dma_start3A_227 : memref<64x128xf32, #tpu.memory_space<vmem>>) target(%dma_start3A_224 : memref<64x128xf32, #tpu.memory_space<hbm>>) target_semaphore(%arg16 : memref<!tpu.dma_semaphore, #tpu.memory_space<semaphore_mem>>)
    %dma_wait3A_228 = arith.constant 0 : i32
    %dma_wait3A_229 = arith.constant 0 : i32
    %dma_wait3A_230 = tpu.memref_slice %arg6[%dma_wait3A_228, %dma_wait3A_229] : memref<512x128xf32, #tpu.memory_space<vmem>> -> memref<64x128xf32, #tpu.memory_space<vmem>>
    %dma_wait3A_231 = arith.constant 0 : i32
    %dma_wait3A_232 = tpu.memref_slice %arg4[%add3A_77, %dma_wait3A_231] : memref<16384x128xf32, #tpu.memory_space<hbm>> -> memref<64x128xf32, #tpu.memory_space<hbm>>
    %dma_wait3A_233 = arith.constant 0 : i32
    %dma_wait3A_234 = tpu.memref_slice %arg4[%add3A_77, %dma_wait3A_233] : memref<16384x128xf32, #tpu.memory_space<hbm>> -> memref<64x128xf32, #tpu.memory_space<hbm>>
    %dma_wait3A_235 = arith.constant 0 : i32
    %dma_wait3A_236 = arith.constant 0 : i32
    %dma_wait3A_237 = tpu.memref_slice %arg6[%dma_wait3A_235, %dma_wait3A_236] : memref<512x128xf32, #tpu.memory_space<vmem>> -> memref<64x128xf32, #tpu.memory_space<vmem>>
    tpu.wait_dma2 semaphore(%arg16 : memref<!tpu.dma_semaphore, #tpu.memory_space<semaphore_mem>>) src(%dma_wait3A_237 : memref<64x128xf32, #tpu.memory_space<vmem>>) dst(%dma_wait3A_234 : memref<64x128xf32, #tpu.memory_space<hbm>>)
    %dma_wait3A_238 = arith.constant 64 : i32
    %dma_wait3A_239 = arith.constant 0 : i32
    %dma_wait3A_240 = tpu.memref_slice %arg6[%dma_wait3A_238, %dma_wait3A_239] : memref<512x128xf32, #tpu.memory_space<vmem>> -> memref<64x128xf32, #tpu.memory_space<vmem>>
    %dma_wait3A_241 = arith.constant 0 : i32
    %dma_wait3A_242 = tpu.memref_slice %arg4[%add3A_97, %dma_wait3A_241] : memref<16384x128xf32, #tpu.memory_space<hbm>> -> memref<64x128xf32, #tpu.memory_space<hbm>>
    %dma_wait3A_243 = arith.constant 0 : i32
    %dma_wait3A_244 = tpu.memref_slice %arg4[%add3A_97, %dma_wait3A_243] : memref<16384x128xf32, #tpu.memory_space<hbm>> -> memref<64x128xf32, #tpu.memory_space<hbm>>
    %dma_wait3A_245 = arith.constant 64 : i32
    %dma_wait3A_246 = arith.constant 0 : i32
    %dma_wait3A_247 = tpu.memref_slice %arg6[%dma_wait3A_245, %dma_wait3A_246] : memref<512x128xf32, #tpu.memory_space<vmem>> -> memref<64x128xf32, #tpu.memory_space<vmem>>
    tpu.wait_dma2 semaphore(%arg16 : memref<!tpu.dma_semaphore, #tpu.memory_space<semaphore_mem>>) src(%dma_wait3A_247 : memref<64x128xf32, #tpu.memory_space<vmem>>) dst(%dma_wait3A_244 : memref<64x128xf32, #tpu.memory_space<hbm>>)
    %dma_wait3A_248 = arith.constant 128 : i32
    %dma_wait3A_249 = arith.constant 0 : i32
    %dma_wait3A_250 = tpu.memref_slice %arg6[%dma_wait3A_248, %dma_wait3A_249] : memref<512x128xf32, #tpu.memory_space<vmem>> -> memref<64x128xf32, #tpu.memory_space<vmem>>
    %dma_wait3A_251 = arith.constant 0 : i32
    %dma_wait3A_252 = tpu.memref_slice %arg4[%add3A_117, %dma_wait3A_251] : memref<16384x128xf32, #tpu.memory_space<hbm>> -> memref<64x128xf32, #tpu.memory_space<hbm>>
    %dma_wait3A_253 = arith.constant 0 : i32
    %dma_wait3A_254 = tpu.memref_slice %arg4[%add3A_117, %dma_wait3A_253] : memref<16384x128xf32, #tpu.memory_space<hbm>> -> memref<64x128xf32, #tpu.memory_space<hbm>>
    %dma_wait3A_255 = arith.constant 128 : i32
    %dma_wait3A_256 = arith.constant 0 : i32
    %dma_wait3A_257 = tpu.memref_slice %arg6[%dma_wait3A_255, %dma_wait3A_256] : memref<512x128xf32, #tpu.memory_space<vmem>> -> memref<64x128xf32, #tpu.memory_space<vmem>>
    tpu.wait_dma2 semaphore(%arg16 : memref<!tpu.dma_semaphore, #tpu.memory_space<semaphore_mem>>) src(%dma_wait3A_257 : memref<64x128xf32, #tpu.memory_space<vmem>>) dst(%dma_wait3A_254 : memref<64x128xf32, #tpu.memory_space<hbm>>)
    %dma_wait3A_258 = arith.constant 192 : i32
    %dma_wait3A_259 = arith.constant 0 : i32
    %dma_wait3A_260 = tpu.memref_slice %arg6[%dma_wait3A_258, %dma_wait3A_259] : memref<512x128xf32, #tpu.memory_space<vmem>> -> memref<64x128xf32, #tpu.memory_space<vmem>>
    %dma_wait3A_261 = arith.constant 0 : i32
    %dma_wait3A_262 = tpu.memref_slice %arg4[%add3A_137, %dma_wait3A_261] : memref<16384x128xf32, #tpu.memory_space<hbm>> -> memref<64x128xf32, #tpu.memory_space<hbm>>
    %dma_wait3A_263 = arith.constant 0 : i32
    %dma_wait3A_264 = tpu.memref_slice %arg4[%add3A_137, %dma_wait3A_263] : memref<16384x128xf32, #tpu.memory_space<hbm>> -> memref<64x128xf32, #tpu.memory_space<hbm>>
    %dma_wait3A_265 = arith.constant 192 : i32
    %dma_wait3A_266 = arith.constant 0 : i32
    %dma_wait3A_267 = tpu.memref_slice %arg6[%dma_wait3A_265, %dma_wait3A_266] : memref<512x128xf32, #tpu.memory_space<vmem>> -> memref<64x128xf32, #tpu.memory_space<vmem>>
    tpu.wait_dma2 semaphore(%arg16 : memref<!tpu.dma_semaphore, #tpu.memory_space<semaphore_mem>>) src(%dma_wait3A_267 : memref<64x128xf32, #tpu.memory_space<vmem>>) dst(%dma_wait3A_264 : memref<64x128xf32, #tpu.memory_space<hbm>>)
    %dma_wait3A_268 = arith.constant 256 : i32
    %dma_wait3A_269 = arith.constant 0 : i32
    %dma_wait3A_270 = tpu.memref_slice %arg6[%dma_wait3A_268, %dma_wait3A_269] : memref<512x128xf32, #tpu.memory_space<vmem>> -> memref<64x128xf32, #tpu.memory_space<vmem>>
    %dma_wait3A_271 = arith.constant 0 : i32
    %dma_wait3A_272 = tpu.memref_slice %arg4[%add3A_157, %dma_wait3A_271] : memref<16384x128xf32, #tpu.memory_space<hbm>> -> memref<64x128xf32, #tpu.memory_space<hbm>>
    %dma_wait3A_273 = arith.constant 0 : i32
    %dma_wait3A_274 = tpu.memref_slice %arg4[%add3A_157, %dma_wait3A_273] : memref<16384x128xf32, #tpu.memory_space<hbm>> -> memref<64x128xf32, #tpu.memory_space<hbm>>
    %dma_wait3A_275 = arith.constant 256 : i32
    %dma_wait3A_276 = arith.constant 0 : i32
    %dma_wait3A_277 = tpu.memref_slice %arg6[%dma_wait3A_275, %dma_wait3A_276] : memref<512x128xf32, #tpu.memory_space<vmem>> -> memref<64x128xf32, #tpu.memory_space<vmem>>
    tpu.wait_dma2 semaphore(%arg16 : memref<!tpu.dma_semaphore, #tpu.memory_space<semaphore_mem>>) src(%dma_wait3A_277 : memref<64x128xf32, #tpu.memory_space<vmem>>) dst(%dma_wait3A_274 : memref<64x128xf32, #tpu.memory_space<hbm>>)
    %dma_wait3A_278 = arith.constant 320 : i32
    %dma_wait3A_279 = arith.constant 0 : i32
    %dma_wait3A_280 = tpu.memref_slice %arg6[%dma_wait3A_278, %dma_wait3A_279] : memref<512x128xf32, #tpu.memory_space<vmem>> -> memref<64x128xf32, #tpu.memory_space<vmem>>
    %dma_wait3A_281 = arith.constant 0 : i32
    %dma_wait3A_282 = tpu.memref_slice %arg4[%add3A_177, %dma_wait3A_281] : memref<16384x128xf32, #tpu.memory_space<hbm>> -> memref<64x128xf32, #tpu.memory_space<hbm>>
    %dma_wait3A_283 = arith.constant 0 : i32
    %dma_wait3A_284 = tpu.memref_slice %arg4[%add3A_177, %dma_wait3A_283] : memref<16384x128xf32, #tpu.memory_space<hbm>> -> memref<64x128xf32, #tpu.memory_space<hbm>>
    %dma_wait3A_285 = arith.constant 320 : i32
    %dma_wait3A_286 = arith.constant 0 : i32
    %dma_wait3A_287 = tpu.memref_slice %arg6[%dma_wait3A_285, %dma_wait3A_286] : memref<512x128xf32, #tpu.memory_space<vmem>> -> memref<64x128xf32, #tpu.memory_space<vmem>>
    tpu.wait_dma2 semaphore(%arg16 : memref<!tpu.dma_semaphore, #tpu.memory_space<semaphore_mem>>) src(%dma_wait3A_287 : memref<64x128xf32, #tpu.memory_space<vmem>>) dst(%dma_wait3A_284 : memref<64x128xf32, #tpu.memory_space<hbm>>)
    %dma_wait3A_288 = arith.constant 384 : i32
    %dma_wait3A_289 = arith.constant 0 : i32
    %dma_wait3A_290 = tpu.memref_slice %arg6[%dma_wait3A_288, %dma_wait3A_289] : memref<512x128xf32, #tpu.memory_space<vmem>> -> memref<64x128xf32, #tpu.memory_space<vmem>>
    %dma_wait3A_291 = arith.constant 0 : i32
    %dma_wait3A_292 = tpu.memref_slice %arg4[%add3A_197, %dma_wait3A_291] : memref<16384x128xf32, #tpu.memory_space<hbm>> -> memref<64x128xf32, #tpu.memory_space<hbm>>
    %dma_wait3A_293 = arith.constant 0 : i32
    %dma_wait3A_294 = tpu.memref_slice %arg4[%add3A_197, %dma_wait3A_293] : memref<16384x128xf32, #tpu.memory_space<hbm>> -> memref<64x128xf32, #tpu.memory_space<hbm>>
    %dma_wait3A_295 = arith.constant 384 : i32
    %dma_wait3A_296 = arith.constant 0 : i32
    %dma_wait3A_297 = tpu.memref_slice %arg6[%dma_wait3A_295, %dma_wait3A_296] : memref<512x128xf32, #tpu.memory_space<vmem>> -> memref<64x128xf32, #tpu.memory_space<vmem>>
    tpu.wait_dma2 semaphore(%arg16 : memref<!tpu.dma_semaphore, #tpu.memory_space<semaphore_mem>>) src(%dma_wait3A_297 : memref<64x128xf32, #tpu.memory_space<vmem>>) dst(%dma_wait3A_294 : memref<64x128xf32, #tpu.memory_space<hbm>>)
    %dma_wait3A_298 = arith.constant 448 : i32
    %dma_wait3A_299 = arith.constant 0 : i32
    %dma_wait3A_300 = tpu.memref_slice %arg6[%dma_wait3A_298, %dma_wait3A_299] : memref<512x128xf32, #tpu.memory_space<vmem>> -> memref<64x128xf32, #tpu.memory_space<vmem>>
    %dma_wait3A_301 = arith.constant 0 : i32
    %dma_wait3A_302 = tpu.memref_slice %arg4[%add3A_217, %dma_wait3A_301] : memref<16384x128xf32, #tpu.memory_space<hbm>> -> memref<64x128xf32, #tpu.memory_space<hbm>>
    %dma_wait3A_303 = arith.constant 0 : i32
    %dma_wait3A_304 = tpu.memref_slice %arg4[%add3A_217, %dma_wait3A_303] : memref<16384x128xf32, #tpu.memory_space<hbm>> -> memref<64x128xf32, #tpu.memory_space<hbm>>
    %dma_wait3A_305 = arith.constant 448 : i32
    %dma_wait3A_306 = arith.constant 0 : i32
    %dma_wait3A_307 = tpu.memref_slice %arg6[%dma_wait3A_305, %dma_wait3A_306] : memref<512x128xf32, #tpu.memory_space<vmem>> -> memref<64x128xf32, #tpu.memory_space<vmem>>
    tpu.wait_dma2 semaphore(%arg16 : memref<!tpu.dma_semaphore, #tpu.memory_space<semaphore_mem>>) src(%dma_wait3A_307 : memref<64x128xf32, #tpu.memory_space<vmem>>) dst(%dma_wait3A_304 : memref<64x128xf32, #tpu.memory_space<hbm>>)
    return
  }
}

module attributes {stable_mosaic.version = 14 : i64} {
  func.func @_transform_body(%arg0: memref<1000x128xf32, #tpu.memory_space<vmem>>, %arg1: memref<128x128xf32, #tpu.memory_space<vmem>>, %arg2: memref<1x128xf32, #tpu.memory_space<vmem>>, %arg3: memref<1000x128xf32, #tpu.memory_space<vmem>>) attributes {dimension_semantics = [], scalar_prefetch = 0 : i64, scratch_operands = 0 : i64, tpu.core_type = #tpu.core_type<tc>} {
    %get3A = arith.constant 0 : index
    %get3A_0 = arith.constant 0 : index
    %get3A_1 = vector.load %arg0[%get3A, %get3A_0] : memref<1000x128xf32, #tpu.memory_space<vmem>>, vector<1000x128xf32>
    %get3A_2 = arith.constant 0 : index
    %get3A_3 = arith.constant 0 : index
    %get3A_4 = vector.load %arg1[%get3A_2, %get3A_3] : memref<128x128xf32, #tpu.memory_space<vmem>>, vector<128x128xf32>
    %dot_general3A = arith.constant dense<0.000000e+00> : vector<1000x128xf32>
    %dot_general3A_5 = tpu.matmul %get3A_1, %get3A_4, %dot_general3A {dimension_numbers = #tpu.dot_dimension_numbers<[1], [1], [0], [0], [0, 0, 1, 0], [], []>, transpose_lhs_hint = false} : vector<1000x128xf32>, vector<128x128xf32>, vector<1000x128xf32> -> vector<1000x128xf32>
    %get3A_6 = arith.constant 0 : index
    %get3A_7 = arith.constant 0 : index
    %get3A_8 = vector.load %arg2[%get3A_6, %get3A_7] : memref<1x128xf32, #tpu.memory_space<vmem>>, vector<1x128xf32>
    %add3A = vector.broadcast %get3A_8 : vector<1x128xf32> to vector<1000x128xf32>
    %add3A_9 = arith.addf %dot_general3A_5, %add3A : vector<1000x128xf32>
    %logistic3A = arith.negf %add3A_9 : vector<1000x128xf32>
    %logistic3A_10 = math.exp %logistic3A : vector<1000x128xf32>
    %logistic3A_11 = arith.constant 1.000000e+00 : f32
    %logistic3A_12 = vector.broadcast %logistic3A_11 : f32 to vector<1000x128xf32>
    %logistic3A_13 = arith.addf %logistic3A_12, %logistic3A_10 : vector<1000x128xf32>
    %logistic3A_14 = arith.divf %logistic3A_12, %logistic3A_13 : vector<1000x128xf32>
    %mul3A = arith.mulf %add3A_9, %logistic3A_14 : vector<1000x128xf32>
    %swap3A = arith.constant 0 : index
    %swap3A_15 = arith.constant 0 : index
    %swap3A_16 = vector.load %arg3[%swap3A, %swap3A_15] : memref<1000x128xf32, #tpu.memory_space<vmem>>, vector<1000x128xf32>
    tpu.vector_store %arg3[%swap3A, %swap3A_15], %mul3A {strides = array<i32>} : memref<1000x128xf32, #tpu.memory_space<vmem>>, vector<1000x128xf32>,
    return
  }
}

</mosaic_0001>

<sc_bundles>
// kernel: kernel.4.cloned.1.call-start
scs
__scs_entry_jumppad:
0x0: {  	(pc) =	sbr.rel $0x88, $3  }
0x1: {  	(tag) =	ssettag $0x0;
	lr =	simm.s32 $0x1  }
0x2: {  	[smem:$0x3F9D] =	sst lr;
	_ =	strace $0xD0000000  }
0x3: {  	_ = 	snop  }
0x4: {  	_ = 	snop  }
0x5: {  	_ = 	snop  }
0x6: {  	_ = 	snop  }
0x7: {  	_ = 	snop  }
__scs_overlays_trampoline_lowered:
0x8: {  	[smem:$0x3FAC] =	sst s0  }
0x9: {  	[smem:$0x3FAD] =	sst s1  }
0xa: {  	[smem:$0x3FAE] =	sst s2  }
0xb: {  	[smem:$0x3FAF] =	sst s3  }
0xc: {  	[smem:$0x3FB0] =	sst s4  }
0xd: {  	[smem:$0x3FB1] =	sst s5  }
0xe: {  	[smem:$0x3FB2] =	sst s6  }
0xf: {  	[smem:$0x3FB3] =	sst s7  }
0x10: {  	[smem:$0x3FB4] =	sst s8  }
0x11: {  	[smem:$0x3FB5] =	sst s9;
	s0 =	simm.s32 @!p0 $0x0  }
0x12: {  	s1 =	sld [smem:$0x3F9B];
	s0 =	simm.s32 @p0 $0x1  }
0x13: {  	[smem:$0x3FB6] =	sst s0;
	s0 =	simm.s32 @!p1 $0x0  }
0x14: {  	s2 =	sld [smem:$0x3F9A];
	s0 =	simm.s32 @p1 $0x1  }
0x15: {  	[smem:$0x3FB7] =	sst s0;
	s0 =	simm.s32 @!p2 $0x0  }
0x16: {  	s3 =	sld [smem:$0x3FDB];
	s0 =	simm.s32 @p2 $0x1  }
0x17: {  	s4 =	simm.s32 $0x1BF5;
	[smem:$0x3FB9] =	sst s0  }
0x18: {  	s0 =	sld [smem:$0x3F9C];
	_ =	swait.ge [sflag:s4], $0x0  }
0x19: {  	s7 =	sld [smem:$0x3F9D]  }
0x1a: {  	s8 =	sadd.s32 $0xFFFFE003, lr  }
0x1b: {  	s9 =	sadd.s32 $0xFFFFFEF7, lr;
	s5 =	simm.s32 $0xFFFFFFFF;
	p2 =	slt.u32 s8, $0xFFFFF086  }
0x1c: {  	p1 =	slt.u32 s9, $0xF7A;
	s5 =	simm.s32 @!p2 $0x0  }
0x1d: {  	s5 =	simm.s32 @p1 $0x1;
	p0 =	seq.s32 s7, s2  }
0x1e: {  	s7 =	smul.u32 @!p0 $0xF7A, s2;
	p2 =	seq.s32 @!p0 s5, $0x0  }
0x1f: {  	s9 =	smul.u32 $0xF7A, s1;
	s8 =	simm.s32 @!p0 $0x1BF5;
	p2 =	por !p2, p0  }
0x20: {  	[sflag:s8] =	ssyncset.s32 @!p0 $0xFFFFF086;
	s6 =	sadd.s32 @!p0 s3, s7;
	s7 =	simm.s32 @!p0 $0x108  }
0x21: {  	s3 =	sadd.s32 s3, s9;
	s6 =	sadd.s32 @!p0 $0x88, s6;
	s7 =	simm.s32 @p2 $0x1082  }
0x22: {  	[simem:s7], [sflag:s8] =	dma.local @!p0 [hbm:s6], $0xF7A  }
0x23: {  	s9 =	sor.u32 $0xD0000000, s2;
	s6 =	simm.s32 $0x108;
	_ =	swait.ge @!p0 [sflag:s8], $0x0  }
0x24: {  	s3 =	sadd.s32 $0x88, s3;
	s6 =	simm.s32 @!p1 $0x1082;
	[sflag:s4] =	ssyncset.s32 $0xFFFFF086  }
0x25: {  	[simem:s6], [sflag:s4] =	dma.local [hbm:s3], $0xF7A  }
0x26: {  	[smem:$0x3F9D] =	sst s1;
	(tag) =	ssettag s2;
	_ =	strace s9  }
0x27: {  	s1 =	sld [smem:$0x3FAD]  }
0x28: {  	s2 =	sld [smem:$0x3FAE]  }
0x29: {  	s4 =	sld [smem:$0x3FB0]  }
0x2a: {  	p0 =	seq.s32 s5, $0x0;
	s5 =	sld [smem:$0x3FB1]  }
0x2b: {  	s6 =	sld [smem:$0x3FB2]  }
0x2c: {  	s7 =	sld [smem:$0x3FB3]  }
0x2d: {  	s3 =	simm.s32 $0x108;
	s8 =	sld [smem:$0x3FB4]  }
0x2e: {  	s3 =	simm.s32 @!p0 $0x1082;
	s9 =	sld [smem:$0x3FB5]  }
0x2f: {  	lr =	sadd.s32 s0, s3;
	s0 =	sld [smem:$0x3FAC]  }
0x30: {  	s3 =	sld [smem:$0x3FAF]  }
0x31: {  	[smem:$0x3FB8] =	sst s10  }
0x32: {  	s10 =	sld [smem:$0x3FB6];
	_ =	sdelay $0x3  }
0x33: {  	p0 =	seq.s32 s10, $0x1;
	s10 =	sld [smem:$0x3FB8];
	_ =	sdelay $0x3  }
0x34: {  	[smem:$0x3FB8] =	sst s10  }
0x35: {  	s10 =	sld [smem:$0x3FB7];
	_ =	sdelay $0x3  }
0x36: {  	p1 =	seq.s32 s10, $0x1;
	s10 =	sld [smem:$0x3FB8];
	_ =	sdelay $0x3  }
0x37: {  	[smem:$0x3FB8] =	sst s10  }
0x38: {  	s10 =	sld [smem:$0x3FB9]  }
0x39: {  	_ = 	snop;
	(pc) =	sbr.ind lr, $3  }
0x3a: {  	_ = 	snop  }
0x3b: {  	_ = 	snop  }
0x3c: {  	p2 =	seq.s32 s10, $0x1;
	s10 =	sld [smem:$0x3FB8]  }
0x3d: {  	_ =	shalt  }
0x3e: {  	_ =	shalt  }
0x3f: {  	_ =	shalt  }
0x40: {  	_ =	shalt  }
0x41: {  	_ =	shalt  }
0x42: {  	_ =	shalt  }
0x43: {  	_ =	shalt  }
0x44: {  	_ =	shalt  }
0x45: {  	_ =	shalt  }
0x46: {  	_ =	shalt  }
0x47: {  	_ =	shalt  }
0x48: {  	_ =	shalt  }
0x49: {  	_ =	shalt  }
0x4a: {  	_ =	shalt  }
0x4b: {  	_ =	shalt  }
0x4c: {  	_ =	shalt  }
0x4d: {  	_ =	shalt  }
0x4e: {  	_ =	shalt  }
0x4f: {  	_ =	shalt  }
0x50: {  	_ =	shalt  }
0x51: {  	_ =	shalt  }
0x52: {  	_ =	shalt  }
0x53: {  	_ =	shalt  }
0x54: {  	_ =	shalt  }
0x55: {  	_ =	shalt  }
0x56: {  	_ =	shalt  }
0x57: {  	_ =	shalt  }
0x58: {  	_ =	shalt  }
0x59: {  	_ =	shalt  }
0x5a: {  	_ =	shalt  }
0x5b: {  	_ =	shalt  }
0x5c: {  	_ =	shalt  }
0x5d: {  	_ =	shalt  }
0x5e: {  	_ =	shalt  }
0x5f: {  	_ =	shalt  }
0x60: {  	_ =	shalt  }
0x61: {  	_ =	shalt  }
0x62: {  	_ =	shalt  }
0x63: {  	_ =	shalt  }
0x64: {  	_ =	shalt  }
0x65: {  	_ =	shalt  }
0x66: {  	_ =	shalt  }
0x67: {  	_ =	shalt  }
0x68: {  	_ =	shalt  }
0x69: {  	_ =	shalt  }
0x6a: {  	_ =	shalt  }
0x6b: {  	_ =	shalt  }
0x6c: {  	_ =	shalt  }
0x6d: {  	_ =	shalt  }
0x6e: {  	_ =	shalt  }
0x6f: {  	_ =	shalt  }
0x70: {  	_ =	shalt  }
0x71: {  	_ =	shalt  }
0x72: {  	_ =	shalt  }
0x73: {  	_ =	shalt  }
0x74: {  	_ =	shalt  }
0x75: {  	_ =	shalt  }
0x76: {  	_ =	shalt  }
0x77: {  	_ =	shalt  }
0x78: {  	_ =	shalt  }
0x79: {  	_ =	shalt  }
0x7a: {  	_ =	shalt  }
0x7b: {  	_ =	shalt  }
0x7c: {  	_ =	shalt  }
0x7d: {  	_ =	shalt  }
0x7e: {  	_ =	shalt  }
0x7f: {  	_ =	shalt  }
0x80: {  	_ =	shalt  }
0x81: {  	_ =	shalt  }
0x82: {  	_ =	shalt  }
0x83: {  	_ =	shalt  }
0x84: {  	_ =	shalt  }
0x85: {  	_ =	shalt  }
0x86: {  	_ =	shalt  }
0x87: {  	_ =	shalt  }
.Lfunc_end0:
.L_simem_size_0:
called_computation_lowered:
.L_overlay_start_0:
0x88: {  	s2 =	sld [smem:$0x3FD9]  }
0x89: {  	s3 =	sld [smem:$0x3FFE];
	_ =	sdelay $0x1  }
0x8a: {  	s1 =	srdreg.scid  }
0x8b: {  	s0 =	sand.u32 $0x1, s1  }
0x8c: {  	s17 =	sshll.u32 s0, $0xA;
	s2 =	sadd.s32 s3, s2  }
0x8d: {  	s2 =	sadd.s32 s2, s17  }
0x8e: {  	[smem:$0x3FC4] =	sst s2  }
0x8f: {  	_ = 	snop  }
0x90: {  	s2 =	sld [smem:$0x3FC9]  }
0x91: {  	s18 =	sld [smem:$0x3FD0];
	(tm) =	ssettm $0x1  }
0x92: {  	s4 =	sld [smem:$0x3FFB];
	_ =	sdelay $0x3  }
0x93: {  	_ =	strace s4  }
0x94: {  	s4 =	sld [smem:$0x3FFC];
	_ =	sdelay $0x3  }
0x95: {  	_ =	strace s4  }
0x96: {  	s4 =	sld [smem:$0x3FFD];
	_ =	sdelay $0x3  }
0x97: {  	_ =	strace s4  }
0x98: {  	_ =	strace $0x8FFFFFFF  }
0x99: {  	s19 =	sld [smem:$0x3FDB];
	_ =	sdelay $0x1  }
0x9a: {  	s5 =	simm.s32 $_scs_section_size  }
0x9b: {  	s6 =	simm.s32 $_size__tile_overlayer_lowered;
	s7 =	simm.s32 $_tile_overlayer_lowered  }
0x9c: {  	s22 =	simm.s32 $0x1BFF;
	s21 =	sshll.u32 s7, $0x1;
	s4 =	sadd.s32 s5, s19  }
0x9d: {  	s8 =	simm.s32 $0x0;
	s20 =	sshll.u32 s6, $0x1;
	s6 =	sadd.s32 s21, s4  }
0x9e: {  	[timem:s8], [sflag:s22] =	dma.local [hbm:s6], s20  }
0x9f: {  	_ =	swait.ge [sflag:s22], s20  }
0xa0: {  	s5 =	ssub.s32 $0x0, s20;
	[sflag:s22] =	ssyncset.done $0x0  }
0xa1: {  	[sflag:s22] =	ssyncadd.s32 s5;
	_ =	sdelay $0x1  }
0xa2: {  	s23 =	simm.s32 $0x1B8B  }
0xa3: {  	_ =	swait.ge [sflag:s23], $0x1  }
0xa4: {  	[sflag:s23] =	ssyncset.done $0x0  }
0xa5: {  	s25 =	simm.s32 $0x1B8E;
	s24 =	sld [smem:$0x3FFE];
	[sflag:s23] =	ssyncadd.s32 $0xFFFFFFFF  }
0xa6: {  	s26 =	simm.s32 $execute0_lowered;
	[smem:$0x3FD2] =	sst s25  }
0xa7: {  	s6 =	sshll.u32 s26, $0x1;
	_ =	strace $0x80000046;
	[dreg:$0x1] =	wrdreg $0xFFFFFFFF  }
0xa8: {  	s28 =	simm.s32 $_size_execute0_lowered;
	s4 =	sadd.s32 s4, s6;
	[dreg:$0x0] =	wrdreg $0x0  }
0xa9: {  	s6 =	sshll.u32 s28, $0x1;
	[dreg:$0x2] =	wrdreg s4  }
0xaa: {  	[dreg:$0x3] =	wrdreg s6  }
0xab: {  	[dreg:$0x4] =	wrdreg $0xC0  }
0xac: {  	_ =	task [dreg:s8], $0x5FFFF  }
0xad: {  	[dreg:$0x1] =	wrdreg $0xFFFFFFFF  }
0xae: {  	[dreg:$0x0] =	wrdreg $0x60  }
0xaf: {  	[dreg:$0x2] =	wrdreg s24  }
0xb0: {  	[dreg:$0x3] =	wrdreg s2  }
0xb1: {  	[dreg:$0x4] =	wrdreg s18  }
0xb2: {  	[dreg:$0x5] =	wrdreg $0x102000  }
0xb3: {  	[dreg:$0x6] =	wrdreg $0x9  }
0xb4: {  	_ =	task.clear_ibuf [dreg:s8], $0x7FFFF;
	_ =	strace $0x90000046  }
0xb5: {  	s29 =	simm.s32 $0x9;
	_ =	strace $0x80000048  }
0xb6: {  	_ =	swait.ge [sflag:s29], $0x1  }
0xb7: {  	[sflag:s29] =	ssyncadd.s32 $0xFFFFFFFF  }
0xb8: {  	_ =	strace $0x90000048  }
0xb9: {  	_ =	sfence  }
0xba: {  	s30 =	sld [smem:$0x0];
	_ =	sdelay $0x2  }
0xbb: {  	s31 =	sshll.u32 s1, $0xD;
	s1 =	sshrl.u32 s1, $0x2  }
0xbc: {  	s3 =	sand.u32 $0x4000, s31;
	s1 =	sadd.s32 s1, s30  }
0xbd: {  	s0 =	sor.u32 s3, s0;
	s1 =	sshll.u32 s1, $0x11  }
0xbe: {  	s0 =	sor.u32 s1, s0  }
0xbf: {  	s0 =	sadd.s32 $0x8F2B, s0  }
0xc0: {  	[sflag:s0] =	ssyncadd.remote.s32 $0x1  }
0xc1: {  	_ =	sfence.sel $0xFFFF  }
0xc2: {  	[dreg:$0x0] =	wrdreg $0xFFFFFFFF;
	(pc) =	sbr.abs _section_cstart, $3  }
0xc3: {  	[dreg:$0x1] =	wrdreg $0xFFFFFFFF  }
0xc4: {  	_ =	task.clear_ibuf [dreg:s8], $0x2FFFF;
	_ =	strace $0x9FFFFFFF  }
0xc5: {  	(tm) =	ssettm $0x7FFFFFFF  }
tec
execute0_lowered:
.L_overlay_start_1:
0x0: {  	(tag) =	ssettag $0x1  }
0x1: {  	s4 =	rddreg [dreg:$0x0]  }
0x2: {  	s5 =	rddreg [dreg:$0x1]  }
0x3: {  	s6 =	rddreg [dreg:$0x2]  }
0x4: {  	s2 =	rddreg [dreg:$0x3]  }
0x5: {  	s0 =	srdreg.scid;
	s3 =	simm.s32 $0x0;
	s1 =	stileid.u32  }
0x6: {  	s0 =	sand.u32 $0x1, s0;
	[smem:$0x7FF] =	sst s3;
	s7 =	sshll.u32 s1, $0xA  }
0x7: {  	s11 =	sshll.u32 s1, $0x6;
	s4 =	sadd.s32 $0xC00, s4;
	s8 =	sshll.u32 s0, $0x9  }
0x8: {  	_ =	strace $0x80000047;
	s10 =	smin.u32 s11, $0x3A8;
	s7 =	sor.u32 s8, s7  }
0x9: {  	s21 =	sor.u32 $0x1C0A, s11;
	s12 =	sshll.u32 s10, $0x4;
	s9 =	sshrl.u32 s7, $0x3  }
0xa: {  	s19 =	sshll.u32 s10, $0x7;
	[dreg:$0xe] =	wrdreg s21;
	s5 =	sadd.s32 s5, s9  }
0xb: {  	s20 =	sadd.s32 s19, s2;
	s9 =	sadd.s32 s4, s12;
	[dreg:$0x5] =	wrdreg s5  }
0xc: {  	s7 =	sshll.u32 s7, $0x4;
	s23 =	sshrl.u32 s20, $0x3;
	[dreg:$0x6] =	wrdreg s9  }
0xd: {  	s5 =	sadd.s32 s6, s7;
	[dreg:$0xf] =	wrdreg s23  }
0xe: {  	s6 =	sadd.s32 $0x400, s5;
	s22 =	rddreg [dreg:$0x5]  }
0xf: {  	s13 =	sadd.s32 $0x800, s5;
	[dreg:$0x7] =	wrdreg s6  }
0x10: {  	s14 =	sadd.s32 $0xC00, s5;
	[dreg:$0x8] =	wrdreg s13  }
0x11: {  	s15 =	sadd.s32 $0x1000, s5;
	[dreg:$0x9] =	wrdreg s14  }
0x12: {  	s16 =	sadd.s32 $0x1400, s5;
	[dreg:$0xa] =	wrdreg s15  }
0x13: {  	s17 =	sadd.s32 $0x1800, s5;
	[dreg:$0xb] =	wrdreg s16  }
0x14: {  	s18 =	sadd.s32 $0x1C00, s5;
	[dreg:$0xc] =	wrdreg s17  }
0x15: {  	[dreg:$0xd] =	wrdreg s18;
	s6 =	simm.s32 $0xA  }
0x16: {  	[tilespmem:s3], [sflag:$0xA] =	stream.linear.gather [hbm4b:s22+s3], $0x200, $0x38;
	[tilespmem:$0x12140] =	vst v63  }
0x17: {  	_ =	swait.ge [sflag:s6], $0x200  }
0x18: {  	s24 =	rddreg [dreg:$0xf]  }
0x19: {  	s8 =	simm.s32 $0x200;
	s25 =	rddreg [dreg:$0x6];
	[sflag:s6] =	ssyncset.done $0x0  }
0x1a: {  	s7 =	simm.s32 $0x40;
	s11 =	rddreg [dreg:$0xe];
	[sflag:s6] =	ssyncadd.s32 $0xFFFFFE00  }
0x1b: {  	[tilespmem:s8], [sflag:$0x1] =	stream.indirect.gather [hbm4b:s4+s7], $0x80, s3, s7, $0xb8;
	[tilespmem:$0x12140] =	vst v63  }
0x1c: {  	[spmem:s24], [sflag:s11] =	dma.local [hbm:s25], $0x400  }
0x1d: {  	_ =	swait.ge [sflag:s6], $0x400  }
0x1e: {  	[sflag:s6] =	ssyncset.done $0x0  }
0x1f: {  	[sflag:s6] =	ssyncadd.s32 $0xFFFFFC00  }
0x20: {  	s9 =	simm.s32 $0x2200;
	[bflag:$0x0] =	sbarrier.arrive $0xFFFF  }
0x21: {  	[tilespmem:s9], [sflag:$0x2] =	stream.indirect.gather [spmem:s2], $0x80, s7, s7, $0xb8;
	[tilespmem:$0x12140] =	vst v63  }
0x22: {  	s26 =	simm.s32 $0x80;
	s11 =	simm.s32 $0x4200  }
0x23: {  	[tilespmem:s11], [sflag:$0x3] =	stream.indirect.gather [spmem:s2], $0x80, s26, s7, $0xb8;
	[tilespmem:$0x12140] =	vst v63  }
0x24: {  	s10 =	simm.s32 $0xC0;
	s13 =	simm.s32 $0x6200  }
0x25: {  	[tilespmem:s13], [sflag:$0x4] =	stream.indirect.gather [spmem:s2], $0x80, s10, s7, $0xb8;
	[tilespmem:$0x12140] =	vst v63  }
0x26: {  	s14 =	simm.s32 $0x100;
	s15 =	simm.s32 $0x8200  }
0x27: {  	[tilespmem:s15], [sflag:$0x5] =	stream.indirect.gather [spmem:s2], $0x80, s14, s7, $0xb8;
	[tilespmem:$0x12140] =	vst v63  }
0x28: {  	s16 =	simm.s32 $0x140;
	s17 =	simm.s32 $0xA200  }
0x29: {  	[tilespmem:s17], [sflag:$0x6] =	stream.indirect.gather [spmem:s2], $0x80, s16, s7, $0xb8;
	[tilespmem:$0x12140] =	vst v63  }
0x2a: {  	s19 =	simm.s32 $0xC200;
	s18 =	simm.s32 $0x180  }
0x2b: {  	[tilespmem:s19], [sflag:$0x7] =	stream.indirect.gather [spmem:s2], $0x80, s18, s7, $0xb8;
	[tilespmem:$0x12140] =	vst v63  }
0x2c: {  	s21 =	simm.s32 $0xE200;
	s20 =	simm.s32 $0x1C0;
	s22 =	simm.s32 $0x1  }
0x2d: {  	[tilespmem:s21], [sflag:$0x8] =	stream.indirect.gather [spmem:s2], $0x80, s20, s7, $0xb8;
	[tilespmem:$0x12140] =	vst v63  }
0x2e: {  	_ =	swait.ge [sflag:s22], $0x2000  }
0x2f: {  	[sflag:s22] =	ssyncset.done $0x0  }
0x30: {  	s23 =	simm.s32 $0x2;
	[sflag:s22] =	ssyncadd.s32 $0xFFFFE000  }
0x31: {  	[hbm4b:s5+s3] =	stream.linear.scatter [tilespmem:s8], [sflag:$0x9], $0x2000, $0x38;
	[tilespmem:$0x12140] =	vst v63  }
0x32: {  	_ =	swait.ge [sflag:s23], $0x2000  }
0x33: {  	[sflag:s23] =	ssyncset.done $0x0  }
0x34: {  	s24 =	rddreg [dreg:$0x7];
	[sflag:s23] =	ssyncadd.s32 $0xFFFFE000  }
0x35: {  	[hbm4b:s24+s3] =	stream.linear.scatter [tilespmem:s9], [sflag:$0x9], $0x2000, $0x38;
	[tilespmem:$0x12140] =	vst v63  }
0x36: {  	s24 =	simm.s32 $0x3  }
0x37: {  	_ =	swait.ge [sflag:s24], $0x2000  }
0x38: {  	[sflag:s24] =	ssyncset.done $0x0  }
0x39: {  	s25 =	rddreg [dreg:$0x8];
	[sflag:s24] =	ssyncadd.s32 $0xFFFFE000  }
0x3a: {  	[hbm4b:s25+s3] =	stream.linear.scatter [tilespmem:s11], [sflag:$0x9], $0x2000, $0x38;
	[tilespmem:$0x12140] =	vst v63  }
0x3b: {  	s25 =	simm.s32 $0x4  }
0x3c: {  	_ =	swait.ge [sflag:s25], $0x2000  }
0x3d: {  	[sflag:s25] =	ssyncset.done $0x0  }
0x3e: {  	s26 =	rddreg [dreg:$0x9];
	[sflag:s25] =	ssyncadd.s32 $0xFFFFE000  }
0x3f: {  	[hbm4b:s26+s3] =	stream.linear.scatter [tilespmem:s13], [sflag:$0x9], $0x2000, $0x38;
	[tilespmem:$0x12140] =	vst v63  }
0x40: {  	s26 =	simm.s32 $0x5  }
0x41: {  	_ =	swait.ge [sflag:s26], $0x2000  }
0x42: {  	[sflag:s26] =	ssyncset.done $0x0  }
0x43: {  	s28 =	rddreg [dreg:$0xa];
	[sflag:s26] =	ssyncadd.s32 $0xFFFFE000  }
0x44: {  	[hbm4b:s28+s3] =	stream.linear.scatter [tilespmem:s15], [sflag:$0x9], $0x2000, $0x38;
	[tilespmem:$0x12140] =	vst v63  }
0x45: {  	s28 =	simm.s32 $0x6  }
0x46: {  	_ =	swait.ge [sflag:s28], $0x2000  }
0x47: {  	[sflag:s28] =	ssyncset.done $0x0  }
0x48: {  	s29 =	rddreg [dreg:$0xb];
	[sflag:s28] =	ssyncadd.s32 $0xFFFFE000  }
0x49: {  	[hbm4b:s29+s3] =	stream.linear.scatter [tilespmem:s17], [sflag:$0x9], $0x2000, $0x38;
	[tilespmem:$0x12140] =	vst v63  }
0x4a: {  	s29 =	simm.s32 $0x7  }
0x4b: {  	_ =	swait.ge [sflag:s29], $0x2000  }
0x4c: {  	[sflag:s29] =	ssyncset.done $0x0  }
0x4d: {  	s30 =	rddreg [dreg:$0xc];
	[sflag:s29] =	ssyncadd.s32 $0xFFFFE000  }
0x4e: {  	[hbm4b:s30+s3] =	stream.linear.scatter [tilespmem:s19], [sflag:$0x9], $0x2000, $0x38;
	[tilespmem:$0x12140] =	vst v63  }
0x4f: {  	s30 =	simm.s32 $0x8  }
0x50: {  	_ =	swait.ge [sflag:s30], $0x2000  }
0x51: {  	[sflag:s30] =	ssyncset.done $0x0  }
0x52: {  	s31 =	rddreg [dreg:$0xd];
	[sflag:s30] =	ssyncadd.s32 $0xFFFFE000  }
0x53: {  	[hbm4b:s31+s3] =	stream.linear.scatter [tilespmem:s21], [sflag:$0x9], $0x2000, $0x38;
	[tilespmem:$0x12140] =	vst v63  }
0x54: {  	s31 =	simm.s32 $0x9  }
0x55: {  	_ =	swait.ge [sflag:s31], $0x2000  }
0x56: {  	[sflag:s31] =	ssyncset.done $0x0  }
0x57: {  	[sflag:s31] =	ssyncadd.s32 $0xFFFFE000  }
0x58: {  	_ =	swait.ge [sflag:s31], $0x2000  }
0x59: {  	[sflag:s31] =	ssyncset.done $0x0  }
0x5a: {  	[sflag:s31] =	ssyncadd.s32 $0xFFFFE000  }
0x5b: {  	_ =	swait.ge [sflag:s31], $0x2000  }
0x5c: {  	[sflag:s31] =	ssyncset.done $0x0  }
0x5d: {  	[sflag:s31] =	ssyncadd.s32 $0xFFFFE000  }
0x5e: {  	_ =	swait.ge [sflag:s31], $0x2000  }
0x5f: {  	[sflag:s31] =	ssyncset.done $0x0  }
0x60: {  	s0 =	ssub.s32 $0x2, s0;
	[sflag:s31] =	ssyncadd.s32 $0xFFFFE000  }
0x61: {  	s12 =	sshrl.u32 s0, $0x1;
	_ =	swait.ge [sflag:s31], $0x2000  }
0x62: {  	s0 =	ssub.s32 s0, s12;
	[sflag:s31] =	ssyncset.done $0x0  }
0x63: {  	s0 =	smax.u32 s0, $0x1;
	[sflag:s31] =	ssyncadd.s32 $0xFFFFE000  }
0x64: {  	p0 =	sne.s32 s0, $0x1;
	_ =	swait.ge [sflag:s31], $0x2000  }
.Ltmp0:
0x65: {  	[sflag:s31] =	ssyncset.done $0x0;
	(pc) =	sbr.rel @!p0 .LBB2_2-.Ltmp0, $4  }
0x66: {  	[sflag:s31] =	ssyncadd.s32 $0xFFFFE000  }
0x67: {  	_ =	swait.ge [sflag:s31], $0x2000  }
0x68: {  	[sflag:s31] =	ssyncset.done $0x0  }
0x69: {  	s0 =	sadd.s32 $0xFFFFFFFF, s0;
	[sflag:s31] =	ssyncadd.s32 $0xFFFFE000  }
.LBB2_1:
0x6a: {  	_ =	swait.ge [sflag:s31], $0x2000  }
0x6b: {  	[sflag:s31] =	ssyncset.done $0x0  }
0x6c: {  	s1 =	rddreg [dreg:$0x5];
	[sflag:s31] =	ssyncadd.s32 $0xFFFFE000  }
0x6d: {  	[tilespmem:s3], [sflag:$0xA] =	stream.linear.gather [hbm4b:s1+s3], $0x200, $0x38;
	[tilespmem:$0x12140] =	vst v63  }
0x6e: {  	_ =	swait.ge [sflag:s6], $0x200  }
0x6f: {  	s1 =	rddreg [dreg:$0xf]  }
0x70: {  	[sflag:s6] =	ssyncset.done $0x0;
	s10 =	rddreg [dreg:$0x6]  }
0x71: {  	s12 =	rddreg [dreg:$0xe];
	[sflag:s6] =	ssyncadd.s32 $0xFFFFFE00  }
0x72: {  	[tilespmem:s8], [sflag:$0x1] =	stream.indirect.gather [hbm4b:s4+s7], $0x80, s3, s7, $0xb8;
	[tilespmem:$0x12140] =	vst v63  }
0x73: {  	[spmem:s1], [sflag:s12] =	dma.local [hbm:s10], $0x400  }
0x74: {  	_ =	swait.ge [sflag:s6], $0x400  }
0x75: {  	[sflag:s6] =	ssyncset.done $0x0  }
0x76: {  	[sflag:s6] =	ssyncadd.s32 $0xFFFFFC00  }
0x77: {  	[bflag:$0x0] =	sbarrier.arrive $0xFFFF  }
0x78: {  	[tilespmem:s9], [sflag:$0x2] =	stream.indirect.gather [spmem:s2], $0x80, s7, s7, $0xb8;
	[tilespmem:$0x12140] =	vst v63  }
0x79: {  	s12 =	simm.s32 $0x80  }
0x7a: {  	[tilespmem:s11], [sflag:$0x3] =	stream.indirect.gather [spmem:s2], $0x80, s12, s7, $0xb8;
	[tilespmem:$0x12140] =	vst v63  }
0x7b: {  	s10 =	simm.s32 $0xC0  }
0x7c: {  	[tilespmem:s13], [sflag:$0x4] =	stream.indirect.gather [spmem:s2], $0x80, s10, s7, $0xb8;
	[tilespmem:$0x12140] =	vst v63  }
0x7d: {  	_ = 	snop  }
0x7e: {  	[tilespmem:s15], [sflag:$0x5] =	stream.indirect.gather [spmem:s2], $0x80, s14, s7, $0xb8;
	[tilespmem:$0x12140] =	vst v63  }
0x7f: {  	_ = 	snop  }
0x80: {  	[tilespmem:s17], [sflag:$0x6] =	stream.indirect.gather [spmem:s2], $0x80, s16, s7, $0xb8;
	[tilespmem:$0x12140] =	vst v63  }
0x81: {  	_ = 	snop  }
0x82: {  	[tilespmem:s19], [sflag:$0x7] =	stream.indirect.gather [spmem:s2], $0x80, s18, s7, $0xb8;
	[tilespmem:$0x12140] =	vst v63  }
0x83: {  	_ = 	snop  }
0x84: {  	[tilespmem:s21], [sflag:$0x8] =	stream.indirect.gather [spmem:s2], $0x80, s20, s7, $0xb8;
	[tilespmem:$0x12140] =	vst v63  }
0x85: {  	_ =	swait.ge [sflag:s22], $0x2000  }
0x86: {  	[sflag:s22] =	ssyncset.done $0x0  }
0x87: {  	[sflag:s22] =	ssyncadd.s32 $0xFFFFE000  }
0x88: {  	[hbm4b:s5+s3] =	stream.linear.scatter [tilespmem:s8], [sflag:$0x9], $0x2000, $0x38;
	[tilespmem:$0x12140] =	vst v63  }
0x89: {  	_ =	swait.ge [sflag:s23], $0x2000  }
0x8a: {  	[sflag:s23] =	ssyncset.done $0x0  }
0x8b: {  	s12 =	rddreg [dreg:$0x7];
	[sflag:s23] =	ssyncadd.s32 $0xFFFFE000  }
0x8c: {  	[hbm4b:s12+s3] =	stream.linear.scatter [tilespmem:s9], [sflag:$0x9], $0x2000, $0x38;
	[tilespmem:$0x12140] =	vst v63  }
0x8d: {  	_ =	swait.ge [sflag:s24], $0x2000  }
0x8e: {  	[sflag:s24] =	ssyncset.done $0x0  }
0x8f: {  	s10 =	rddreg [dreg:$0x8];
	[sflag:s24] =	ssyncadd.s32 $0xFFFFE000  }
0x90: {  	[hbm4b:s10+s3] =	stream.linear.scatter [tilespmem:s11], [sflag:$0x9], $0x2000, $0x38;
	[tilespmem:$0x12140] =	vst v63  }
0x91: {  	_ =	swait.ge [sflag:s25], $0x2000  }
0x92: {  	[sflag:s25] =	ssyncset.done $0x0  }
0x93: {  	s12 =	rddreg [dreg:$0x9];
	[sflag:s25] =	ssyncadd.s32 $0xFFFFE000  }
0x94: {  	[hbm4b:s12+s3] =	stream.linear.scatter [tilespmem:s13], [sflag:$0x9], $0x2000, $0x38;
	[tilespmem:$0x12140] =	vst v63  }
0x95: {  	_ =	swait.ge [sflag:s26], $0x2000  }
0x96: {  	[sflag:s26] =	ssyncset.done $0x0  }
0x97: {  	s10 =	rddreg [dreg:$0xa];
	[sflag:s26] =	ssyncadd.s32 $0xFFFFE000  }
0x98: {  	[hbm4b:s10+s3] =	stream.linear.scatter [tilespmem:s15], [sflag:$0x9], $0x2000, $0x38;
	[tilespmem:$0x12140] =	vst v63  }
0x99: {  	_ =	swait.ge [sflag:s28], $0x2000  }
0x9a: {  	[sflag:s28] =	ssyncset.done $0x0  }
0x9b: {  	s12 =	rddreg [dreg:$0xb];
	[sflag:s28] =	ssyncadd.s32 $0xFFFFE000  }
0x9c: {  	[hbm4b:s12+s3] =	stream.linear.scatter [tilespmem:s17], [sflag:$0x9], $0x2000, $0x38;
	[tilespmem:$0x12140] =	vst v63  }
0x9d: {  	_ =	swait.ge [sflag:s29], $0x2000  }
0x9e: {  	[sflag:s29] =	ssyncset.done $0x0  }
0x9f: {  	s10 =	rddreg [dreg:$0xc];
	[sflag:s29] =	ssyncadd.s32 $0xFFFFE000  }
0xa0: {  	[hbm4b:s10+s3] =	stream.linear.scatter [tilespmem:s19], [sflag:$0x9], $0x2000, $0x38;
	[tilespmem:$0x12140] =	vst v63  }
0xa1: {  	_ =	swait.ge [sflag:s30], $0x2000  }
0xa2: {  	[sflag:s30] =	ssyncset.done $0x0  }
0xa3: {  	s12 =	rddreg [dreg:$0xd];
	[sflag:s30] =	ssyncadd.s32 $0xFFFFE000  }
0xa4: {  	[hbm4b:s12+s3] =	stream.linear.scatter [tilespmem:s21], [sflag:$0x9], $0x2000, $0x38;
	[tilespmem:$0x12140] =	vst v63  }
0xa5: {  	_ =	swait.ge [sflag:s31], $0x2000  }
0xa6: {  	[sflag:s31] =	ssyncset.done $0x0  }
0xa7: {  	[sflag:s31] =	ssyncadd.s32 $0xFFFFE000  }
0xa8: {  	_ =	swait.ge [sflag:s31], $0x2000  }
0xa9: {  	[sflag:s31] =	ssyncset.done $0x0  }
0xaa: {  	[sflag:s31] =	ssyncadd.s32 $0xFFFFE000  }
0xab: {  	_ =	swait.ge [sflag:s31], $0x2000  }
0xac: {  	[sflag:s31] =	ssyncset.done $0x0  }
0xad: {  	[sflag:s31] =	ssyncadd.s32 $0xFFFFE000  }
0xae: {  	_ =	swait.ge [sflag:s31], $0x2000  }
0xaf: {  	[sflag:s31] =	ssyncset.done $0x0  }
0xb0: {  	[sflag:s31] =	ssyncadd.s32 $0xFFFFE000  }
0xb1: {  	_ =	swait.ge [sflag:s31], $0x2000  }
0xb2: {  	[sflag:s31] =	ssyncset.done $0x0  }
0xb3: {  	[sflag:s31] =	ssyncadd.s32 $0xFFFFE000  }
0xb4: {  	p0 =	sne.s32 s0, $0x1;
	_ =	swait.ge [sflag:s31], $0x2000  }
.Ltmp1:
0xb5: {  	[sflag:s31] =	ssyncset.done $0x0;
	(pc) =	sbr.rel @p0 .LBB2_1-.Ltmp1, $4  }
0xb6: {  	[sflag:s31] =	ssyncadd.s32 $0xFFFFE000  }
0xb7: {  	_ =	swait.ge [sflag:s31], $0x2000  }
0xb8: {  	[sflag:s31] =	ssyncset.done $0x0  }
0xb9: {  	s0 =	sadd.s32 $0xFFFFFFFF, s0;
	[sflag:s31] =	ssyncadd.s32 $0xFFFFE000  }
.LBB2_2:
0xba: {  	_ =	swait.ge [sflag:s31], $0x2000  }
0xbb: {  	[sflag:s31] =	ssyncset.done $0x0  }
0xbc: {  	[sflag:s31] =	ssyncadd.s32 $0xFFFFE000  }
0xbd: {  	_ =	sfence.sel $0x180000  }
0xbe: {  	[bflag:$0x0] =	sbarrier.arrive $0xFFFF  }
0xbf: {  	_ =	strace $0x90000047  }
0xc0: {  	s0 =	stileid.u32;
	[bflag:$0x2] =	sbarrier.arrive $0xFFFF  }
0xc1: {  	p0 =	sne.s32 s0, $0x0;
	s0 =	rddreg [dreg:$0x4]  }
0xc2: {  	s0 =	sadd.s32 @!p0 $0x100000, s0  }
0xc3: {  	[sflag:s0] =	ssyncadd.tile.s32 @!p0 $0x1;
	_ =	shalt  }
.Lfunc_end2:
_tile_overlayer_lowered:
.L_overlay_start_2:
0xc4: {  	(tag) =	ssettag $0x2  }
0xc5: {  	s0 =	rddreg [dreg:$0x0];
	s2 =	stileid.u32  }
0xc6: {  	s1 =	rddreg [dreg:$0x1];
	p0 =	sne.s32 s2, $0x0  }
0xc7: {  	s3 =	rddreg [dreg:$0x2];
	[bflag:$0x3] =	sbarrier.arrive $0xFFFF;
	s2 =	simm.s32 @!p0 $0x1C0A  }
0xc8: {  	[timem:s3], [sflag:s2] =	dma.local @!p0 [hbm:s0], s1  }
0xc9: {  	s0 =	simm.s32 @!p0 $0xA  }
0xca: {  	_ =	swait.ge @!p0 [sflag:s0], s1  }
0xcb: {  	s1 =	ssub.s32 @!p0 $0x0, s1;
	[sflag:s0] =	ssyncset.done @!p0 $0x0  }
0xcc: {  	[sflag:s0] =	ssyncadd.s32 @!p0 s1  }
0xcd: {  	[bflag:$0x3] =	sbarrier.arrive $0xFFFF  }
0xce: {  	_ =	shalt  }

</sc_bundles>
